<compile_context>
chip_gen: v7x
topology: tpu7x:2x2x1
jax: 0.10.2.dev20260603
libtpu: 0.0.44.dev20260713+nightly
codegen_flags: <defaults>
</compile_context>

<pallas_src>
import functools

import jax
import jax.numpy as jnp
from jax import lax
from jax.experimental import pallas as pl
from jax.experimental.pallas import tpu as pltpu
from jax.experimental.pallas import tpu_sc as plsc

_N, _D, _K = 4096, 128, 3
_B = 256
_KP = 8
_NC, _NS = 2, 16
_NW = _NC * _NS
_NH = 1
_R = _N // _NH // _NW
_H = _D // 16
def _topk_body(x_ref, y_ref, idx_ref):
    x = x_ref[...]
    y = y_ref[...]
    hsq_x = 0.5 * jnp.sum(x * x, axis=1, keepdims=True)
    e = hsq_x - lax.dot_general(x, y, (((1,), (1,)), ((), ())),
                                preferred_element_type=jnp.float32)
    b = lax.bitcast_convert_type(e, jnp.int32)
    flip = lax.shift_right_logical(lax.shift_right_arithmetic(b, 31), 1)
    rows = lax.broadcasted_iota(jnp.int32, (_N, _B), 0)
    key = ((b ^ flip) & ~jnp.int32(0xFFF)) | rows

    idxs = []
    for _ in range(_K):
        m = jnp.min(key, axis=0, keepdims=True)
        idxs.append(m & jnp.int32(0xFFF))
        key = jnp.where(key == m, jnp.int32(0x7FFFFFFF), key)
    pad = jnp.zeros((_KP - _K, _B), jnp.int32)
    idx_ref[...] = jnp.concatenate(idxs + [pad], axis=0)


def _topk(x):
    return pl.pallas_call(
        _topk_body,
        grid=(_N // _B,),
        in_specs=[
            pl.BlockSpec((_N, _D), lambda i: (0, 0)),
            pl.BlockSpec((_B, _D), lambda i: (i, 0)),
        ],
        out_specs=pl.BlockSpec((_KP, _B), lambda i: (0, i)),
        out_shape=jax.ShapeDtypeStruct((_KP, _N), jnp.int32),
    )(x, x)


def _sc_body(half, x_hbm, idxt_hbm, out_hbm,
             xq, g0, g1, g2, i0, i1, i2, out_v, sem, lsem):
    wid = lax.axis_index("s") * _NC + lax.axis_index("c")
    base = wid * _R
    l0 = pltpu.async_copy(x_hbm.at[pl.ds(half * (_N // _NH) + base, _R)],
                          xq, lsem)
    pltpu.sync_copy(idxt_hbm.at[0, wid], i0)
    pltpu.sync_copy(idxt_hbm.at[1, wid], i1)
    pltpu.sync_copy(idxt_hbm.at[2, wid], i2)
    c0 = pltpu.async_copy(x_hbm.at[i0], g0, sem)
    c1 = pltpu.async_copy(x_hbm.at[i1], g1, sem)
    c2 = pltpu.async_copy(x_hbm.at[i2], g2, sem)
    l0.wait()
    c0.wait()
    c1.wait()
    c2.wait()

    def row(r, carry):
        ws = []
        for g in (g0, g1, g2):
            acc_a = jnp.zeros((16,), jnp.float32)
            acc_b = jnp.zeros((16,), jnp.float32)
            for h in range(0, _H, 2):
                va = g[r, pl.ds(h * 16, 16)] - xq[r, pl.ds(h * 16, 16)]
                vb = g[r, pl.ds((h + 1) * 16, 16)] - xq[r, pl.ds((h + 1) * 16, 16)]
                acc_a = acc_a + va * va
                acc_b = acc_b + vb * vb
            acc = acc_a + acc_b
            parts = [acc[t] for t in range(16)]
            while len(parts) > 1:
                parts = [parts[i] + parts[i + 1]
                         for i in range(0, len(parts), 2)]
            d2 = parts[0]
            d2v = jnp.broadcast_to(d2, (16,))
            ws.append(1.0 / jnp.maximum(d2v, 1e-16))
        w0, w1, w2 = ws
        inv = 1.0 / (w0 + w1 + w2)
        for h in range(_H):
            s = pl.ds(h * 16, 16)
            out_v[r, s] = (w0 * g0[r, s] + w1 * g1[r, s] + w2 * g2[r, s]) * inv
        return carry

    lax.fori_loop(0, _R, row, 0, unroll=2)
    pltpu.sync_copy(out_v, out_hbm.at[pl.ds(base, _R)])


def _sc_interpolate(x, idx_t, half):
    mesh = plsc.VectorSubcoreMesh(core_axis_name="c", subcore_axis_name="s")
    run = functools.partial(
        pl.kernel,
        out_type=jax.ShapeDtypeStruct((_N // _NH, _D), jnp.float32),
        mesh=mesh,
        scratch_types=[
            pltpu.VMEM((_R, _D), jnp.float32),
            pltpu.VMEM((_R, _D), jnp.float32),
            pltpu.VMEM((_R, _D), jnp.float32),
            pltpu.VMEM((_R, _D), jnp.float32),
            pltpu.VMEM((_R,), jnp.int32),
            pltpu.VMEM((_R,), jnp.int32),
            pltpu.VMEM((_R,), jnp.int32),
            pltpu.VMEM((_R, _D), jnp.float32),
            pltpu.SemaphoreType.DMA,
            pltpu.SemaphoreType.DMA,
        ],
    )(functools.partial(_sc_body, half))
    return run(x, idx_t)


def kernel(x):
    idx = _topk(x)
    idx_t = idx.reshape(_KP, _NW, _R)
    return _sc_interpolate(x, idx_t, 0)

# --- scband reference (transcript-rebuilt; emitter-appended) ---
"""Pipeline reference for scband-minitest-24618752540744 (READ-ONLY COPY).

The authoritative reference and input builder live on the scoring server;
editing this copy changes nothing except your own understanding.
"""

import jax, jax.numpy as jnp
import numpy as np

N, D, K = 4096, 128, 3

def setup_inputs(seed: int = 0):
    key = jax.random.key(seed)
    x = jax.random.normal(key, (N, D), dtype=jnp.float32)
    return {"x": x}


def _knn_interpolate(x, pos_x, pos_y, k):
    # knn: for each query in pos_y, find k nearest points in pos_x
    # (computed with no gradient flow, matching torch.no_grad in PyG)
    sq_x = jnp.sum(pos_x * pos_x, axis=1)
    sq_y = jnp.sum(pos_y * pos_y, axis=1)
    d2 = sq_y[:, None] + sq_x[None, :] - 2.0 * (pos_y @ pos_x.T)  # [Ny, Nx]
    _, idx = jax.lax.top_k(-d2, k)  # [Ny, k] indices into pos_x
    idx = jax.lax.stop_gradient(idx)

    n_y = pos_y.shape[0]
    y_idx = jnp.repeat(jnp.arange(n_y), k)  # [Ny*k]
    x_idx = idx.reshape(-1)                 # [Ny*k]

    diff = pos_x[x_idx] - pos_y[y_idx]      # [Ny*k, D]
    squared_distance = jnp.sum(diff * diff, axis=-1, keepdims=True)
    weights = 1.0 / jnp.clip(squared_distance, 1e-16)
    weights = jax.lax.stop_gradient(weights)  # weights computed under no_grad in PyG

    num = jnp.zeros((n_y, x.shape[1]), dtype=x.dtype).at[y_idx].add(x[x_idx] * weights)
    den = jnp.zeros((n_y, 1), dtype=x.dtype).at[y_idx].add(weights)
    return num / den


def reference(x):
    # torch_geometric.nn.knn_interpolate(x, x, x) -> features=x, pos_x=x, pos_y=x, k=3
    return _knn_interpolate(x, x, x, K)

if __name__ == "__main__":
    import jax
    _d = setup_inputs()
    print(jax.jit(kernel)(*tuple(_d.values())))

</pallas_src>

<mosaic_0001>
#map = affine_map<(d0, d1) -> (0, 0)>
#map1 = affine_map<(d0, d1) -> (0, 0, 0)>
module attributes {stable_mosaic.version = 14 : i64} {
  func.func @_sc_body(%arg0: i32, %arg1: i32, %arg2: memref<4096x128xf32, #tpu.memory_space<hbm>>, %arg3: memref<8x32x128xi32, #tpu.memory_space<hbm>>, %arg4: memref<4096x128xf32, #tpu.memory_space<hbm>>, %arg5: memref<128x128xf32, #tpu.memory_space<vmem>>, %arg6: memref<128x128xf32, #tpu.memory_space<vmem>>, %arg7: memref<128x128xf32, #tpu.memory_space<vmem>>, %arg8: memref<128x128xf32, #tpu.memory_space<vmem>>, %arg9: memref<128xi32, #tpu.memory_space<vmem>>, %arg10: memref<128xi32, #tpu.memory_space<vmem>>, %arg11: memref<128xi32, #tpu.memory_space<vmem>>, %arg12: memref<128x128xf32, #tpu.memory_space<vmem>>, %arg13: memref<!tpu.dma_semaphore, #tpu.memory_space<semaphore_mem>>, %arg14: memref<!tpu.dma_semaphore, #tpu.memory_space<semaphore_mem>>) attributes {dimension_semantics = [#tpu.dimension_semantics<core_parallel>, #tpu.dimension_semantics<subcore_parallel>], iteration_bounds = array<i64: 2, 16>, scalar_prefetch = 0 : i64, scratch_operands = 10 : i64, tpu.core_type = #tpu.core_type<sc_vector_subcore>, window_params = [{transform_indices = #map}, {transform_indices = #map1}, {transform_indices = #map}]} {
    %mul3A = arith.constant 2 : i32
    %mul3A_0 = arith.muli %arg1, %mul3A : i32
    %add3A = arith.addi %mul3A_0, %arg0 : i32
    %mul3A_1 = arith.constant 128 : i32
    %mul3A_2 = arith.muli %add3A, %mul3A_1 : i32
    %add3A_3 = arith.constant 0 : i32
    %add3A_4 = arith.addi %add3A_3, %mul3A_2 : i32
    %dma_start3A = arith.constant 0 : i32
    %dma_start3A_5 = tpu.memref_slice %arg2[%add3A_4, %dma_start3A] : memref<4096x128xf32, #tpu.memory_space<hbm>> -> memref<128x128xf32, #tpu.memory_space<hbm>>
    %dma_start3A_6 = arith.constant 0 : i32
    %dma_start3A_7 = tpu.memref_slice %arg2[%add3A_4, %dma_start3A_6] : memref<4096x128xf32, #tpu.memory_space<hbm>> -> memref<128x128xf32, #tpu.memory_space<hbm>>
    tpu.enqueue_dma source(%dma_start3A_7 : memref<128x128xf32, #tpu.memory_space<hbm>>) target(%arg5 : memref<128x128xf32, #tpu.memory_space<vmem>>) target_semaphore(%arg14 : memref<!tpu.dma_semaphore, #tpu.memory_space<semaphore_mem>>)
    %run_scoped3A = arith.constant 0 : i32
    "tpu.region"() ({
      %run_scoped3A_36 = tpu.sem_alloc : memref<!tpu.dma_semaphore, #tpu.memory_space<semaphore_mem>>
      %dma_start3A_37 = arith.constant 0 : i32
      %dma_start3A_38 = tpu.memref_slice %arg3[%run_scoped3A, %add3A, %dma_start3A_37] : memref<8x32x128xi32, #tpu.memory_space<hbm>> -> memref<1x1x128xi32, #tpu.memory_space<hbm>>
      %dma_start3A_39 = tpu.memref_squeeze %dma_start3A_38 : memref<1x1x128xi32, #tpu.memory_space<hbm>> -> memref<128xi32, #tpu.memory_space<hbm>>
      %dma_start3A_40 = arith.constant 0 : i32
      %dma_start3A_41 = tpu.memref_slice %arg3[%run_scoped3A, %add3A, %dma_start3A_40] : memref<8x32x128xi32, #tpu.memory_space<hbm>> -> memref<1x1x128xi32, #tpu.memory_space<hbm>>
      %dma_start3A_42 = tpu.memref_squeeze %dma_start3A_41 : memref<1x1x128xi32, #tpu.memory_space<hbm>> -> memref<128xi32, #tpu.memory_space<hbm>>
      tpu.enqueue_dma source(%dma_start3A_42 : memref<128xi32, #tpu.memory_space<hbm>>) target(%arg9 : memref<128xi32, #tpu.memory_space<vmem>>) target_semaphore(%run_scoped3A_36 : memref<!tpu.dma_semaphore, #tpu.memory_space<semaphore_mem>>)
      %dma_wait3A_43 = arith.constant 0 : i32
      %dma_wait3A_44 = tpu.memref_slice %arg3[%run_scoped3A, %add3A, %dma_wait3A_43] : memref<8x32x128xi32, #tpu.memory_space<hbm>> -> memref<1x1x128xi32, #tpu.memory_space<hbm>>
      %dma_wait3A_45 = tpu.memref_squeeze %dma_wait3A_44 : memref<1x1x128xi32, #tpu.memory_space<hbm>> -> memref<128xi32, #tpu.memory_space<hbm>>
      %dma_wait3A_46 = arith.constant 0 : i32
      %dma_wait3A_47 = tpu.memref_slice %arg3[%run_scoped3A, %add3A, %dma_wait3A_46] : memref<8x32x128xi32, #tpu.memory_space<hbm>> -> memref<1x1x128xi32, #tpu.memory_space<hbm>>
      %dma_wait3A_48 = tpu.memref_squeeze %dma_wait3A_47 : memref<1x1x128xi32, #tpu.memory_space<hbm>> -> memref<128xi32, #tpu.memory_space<hbm>>
      tpu.wait_dma2 semaphore(%run_scoped3A_36 : memref<!tpu.dma_semaphore, #tpu.memory_space<semaphore_mem>>) src(%dma_wait3A_48 : memref<128xi32, #tpu.memory_space<hbm>>) dst(%arg9 : memref<128xi32, #tpu.memory_space<vmem>>)
      tpu.yield
    }) : () -> ()
    %run_scoped3A_8 = arith.constant 1 : i32
    "tpu.region"() ({
      %run_scoped3A_36 = tpu.sem_alloc : memref<!tpu.dma_semaphore, #tpu.memory_space<semaphore_mem>>
      %dma_start3A_37 = arith.constant 0 : i32
      %dma_start3A_38 = tpu.memref_slice %arg3[%run_scoped3A_8, %add3A, %dma_start3A_37] : memref<8x32x128xi32, #tpu.memory_space<hbm>> -> memref<1x1x128xi32, #tpu.memory_space<hbm>>
      %dma_start3A_39 = tpu.memref_squeeze %dma_start3A_38 : memref<1x1x128xi32, #tpu.memory_space<hbm>> -> memref<128xi32, #tpu.memory_space<hbm>>
      %dma_start3A_40 = arith.constant 0 : i32
      %dma_start3A_41 = tpu.memref_slice %arg3[%run_scoped3A_8, %add3A, %dma_start3A_40] : memref<8x32x128xi32, #tpu.memory_space<hbm>> -> memref<1x1x128xi32, #tpu.memory_space<hbm>>
      %dma_start3A_42 = tpu.memref_squeeze %dma_start3A_41 : memref<1x1x128xi32, #tpu.memory_space<hbm>> -> memref<128xi32, #tpu.memory_space<hbm>>
      tpu.enqueue_dma source(%dma_start3A_42 : memref<128xi32, #tpu.memory_space<hbm>>) target(%arg10 : memref<128xi32, #tpu.memory_space<vmem>>) target_semaphore(%run_scoped3A_36 : memref<!tpu.dma_semaphore, #tpu.memory_space<semaphore_mem>>)
      %dma_wait3A_43 = arith.constant 0 : i32
      %dma_wait3A_44 = tpu.memref_slice %arg3[%run_scoped3A_8, %add3A, %dma_wait3A_43] : memref<8x32x128xi32, #tpu.memory_space<hbm>> -> memref<1x1x128xi32, #tpu.memory_space<hbm>>
      %dma_wait3A_45 = tpu.memref_squeeze %dma_wait3A_44 : memref<1x1x128xi32, #tpu.memory_space<hbm>> -> memref<128xi32, #tpu.memory_space<hbm>>
      %dma_wait3A_46 = arith.constant 0 : i32
      %dma_wait3A_47 = tpu.memref_slice %arg3[%run_scoped3A_8, %add3A, %dma_wait3A_46] : memref<8x32x128xi32, #tpu.memory_space<hbm>> -> memref<1x1x128xi32, #tpu.memory_space<hbm>>
      %dma_wait3A_48 = tpu.memref_squeeze %dma_wait3A_47 : memref<1x1x128xi32, #tpu.memory_space<hbm>> -> memref<128xi32, #tpu.memory_space<hbm>>
      tpu.wait_dma2 semaphore(%run_scoped3A_36 : memref<!tpu.dma_semaphore, #tpu.memory_space<semaphore_mem>>) src(%dma_wait3A_48 : memref<128xi32, #tpu.memory_space<hbm>>) dst(%arg10 : memref<128xi32, #tpu.memory_space<vmem>>)
      tpu.yield
    }) : () -> ()
    %run_scoped3A_9 = arith.constant 2 : i32
    "tpu.region"() ({
      %run_scoped3A_36 = tpu.sem_alloc : memref<!tpu.dma_semaphore, #tpu.memory_space<semaphore_mem>>
      %dma_start3A_37 = arith.constant 0 : i32
      %dma_start3A_38 = tpu.memref_slice %arg3[%run_scoped3A_9, %add3A, %dma_start3A_37] : memref<8x32x128xi32, #tpu.memory_space<hbm>> -> memref<1x1x128xi32, #tpu.memory_space<hbm>>
      %dma_start3A_39 = tpu.memref_squeeze %dma_start3A_38 : memref<1x1x128xi32, #tpu.memory_space<hbm>> -> memref<128xi32, #tpu.memory_space<hbm>>
      %dma_start3A_40 = arith.constant 0 : i32
      %dma_start3A_41 = tpu.memref_slice %arg3[%run_scoped3A_9, %add3A, %dma_start3A_40] : memref<8x32x128xi32, #tpu.memory_space<hbm>> -> memref<1x1x128xi32, #tpu.memory_space<hbm>>
      %dma_start3A_42 = tpu.memref_squeeze %dma_start3A_41 : memref<1x1x128xi32, #tpu.memory_space<hbm>> -> memref<128xi32, #tpu.memory_space<hbm>>
      tpu.enqueue_dma source(%dma_start3A_42 : memref<128xi32, #tpu.memory_space<hbm>>) target(%arg11 : memref<128xi32, #tpu.memory_space<vmem>>) target_semaphore(%run_scoped3A_36 : memref<!tpu.dma_semaphore, #tpu.memory_space<semaphore_mem>>)
      %dma_wait3A_43 = arith.constant 0 : i32
      %dma_wait3A_44 = tpu.memref_slice %arg3[%run_scoped3A_9, %add3A, %dma_wait3A_43] : memref<8x32x128xi32, #tpu.memory_space<hbm>> -> memref<1x1x128xi32, #tpu.memory_space<hbm>>
      %dma_wait3A_45 = tpu.memref_squeeze %dma_wait3A_44 : memref<1x1x128xi32, #tpu.memory_space<hbm>> -> memref<128xi32, #tpu.memory_space<hbm>>
      %dma_wait3A_46 = arith.constant 0 : i32
      %dma_wait3A_47 = tpu.memref_slice %arg3[%run_scoped3A_9, %add3A, %dma_wait3A_46] : memref<8x32x128xi32, #tpu.memory_space<hbm>> -> memref<1x1x128xi32, #tpu.memory_space<hbm>>
      %dma_wait3A_48 = tpu.memref_squeeze %dma_wait3A_47 : memref<1x1x128xi32, #tpu.memory_space<hbm>> -> memref<128xi32, #tpu.memory_space<hbm>>
      tpu.wait_dma2 semaphore(%run_scoped3A_36 : memref<!tpu.dma_semaphore, #tpu.memory_space<semaphore_mem>>) src(%dma_wait3A_48 : memref<128xi32, #tpu.memory_space<hbm>>) dst(%arg11 : memref<128xi32, #tpu.memory_space<vmem>>)
      tpu.yield
    }) : () -> ()
    %dma_start3A_10 = arith.constant 0 : i32
    %dma_start3A_11 = arith.constant 0 : i32
    %dma_start3A_12 = tpu.memref_slice %arg2[%dma_start3A_10, %dma_start3A_11] : memref<4096x128xf32, #tpu.memory_space<hbm>> -> memref<4096x128xf32, #tpu.memory_space<hbm>>
    tpu.enqueue_indirect_dma source(%dma_start3A_12 : memref<4096x128xf32, #tpu.memory_space<hbm>>) target(%arg6 : memref<128x128xf32, #tpu.memory_space<vmem>>) offsets(%arg9 : memref<128xi32, #tpu.memory_space<vmem>>) semaphore(%arg13 : memref<!tpu.dma_semaphore, #tpu.memory_space<semaphore_mem>>)
    %dma_start3A_13 = arith.constant 0 : i32
    %dma_start3A_14 = arith.constant 0 : i32
    %dma_start3A_15 = tpu.memref_slice %arg2[%dma_start3A_13, %dma_start3A_14] : memref<4096x128xf32, #tpu.memory_space<hbm>> -> memref<4096x128xf32, #tpu.memory_space<hbm>>
    tpu.enqueue_indirect_dma source(%dma_start3A_15 : memref<4096x128xf32, #tpu.memory_space<hbm>>) target(%arg7 : memref<128x128xf32, #tpu.memory_space<vmem>>) offsets(%arg10 : memref<128xi32, #tpu.memory_space<vmem>>) semaphore(%arg13 : memref<!tpu.dma_semaphore, #tpu.memory_space<semaphore_mem>>)
    %dma_start3A_16 = arith.constant 0 : i32
    %dma_start3A_17 = arith.constant 0 : i32
    %dma_start3A_18 = tpu.memref_slice %arg2[%dma_start3A_16, %dma_start3A_17] : memref<4096x128xf32, #tpu.memory_space<hbm>> -> memref<4096x128xf32, #tpu.memory_space<hbm>>
    tpu.enqueue_indirect_dma source(%dma_start3A_18 : memref<4096x128xf32, #tpu.memory_space<hbm>>) target(%arg8 : memref<128x128xf32, #tpu.memory_space<vmem>>) offsets(%arg11 : memref<128xi32, #tpu.memory_space<vmem>>) semaphore(%arg13 : memref<!tpu.dma_semaphore, #tpu.memory_space<semaphore_mem>>)
    %dma_wait3A = arith.constant 0 : i32
    %dma_wait3A_19 = tpu.memref_slice %arg2[%add3A_4, %dma_wait3A] : memref<4096x128xf32, #tpu.memory_space<hbm>> -> memref<128x128xf32, #tpu.memory_space<hbm>>
    %dma_wait3A_20 = arith.constant 0 : i32
    %dma_wait3A_21 = tpu.memref_slice %arg2[%add3A_4, %dma_wait3A_20] : memref<4096x128xf32, #tpu.memory_space<hbm>> -> memref<128x128xf32, #tpu.memory_space<hbm>>
    tpu.wait_dma2 semaphore(%arg14 : memref<!tpu.dma_semaphore, #tpu.memory_space<semaphore_mem>>) src(%dma_wait3A_21 : memref<128x128xf32, #tpu.memory_space<hbm>>) dst(%arg5 : memref<128x128xf32, #tpu.memory_space<vmem>>)
    %dma_wait3A_22 = arith.constant 0 : i32
    %dma_wait3A_23 = arith.constant 0 : i32
    %dma_wait3A_24 = tpu.memref_slice %arg2[%dma_wait3A_22, %dma_wait3A_23] : memref<4096x128xf32, #tpu.memory_space<hbm>> -> memref<4096x128xf32, #tpu.memory_space<hbm>>
    tpu.wait_indirect_dma semaphore(%arg13 : memref<!tpu.dma_semaphore, #tpu.memory_space<semaphore_mem>>) src(%dma_wait3A_24 : memref<4096x128xf32, #tpu.memory_space<hbm>>) dst(%arg6 : memref<128x128xf32, #tpu.memory_space<vmem>>)
    %dma_wait3A_25 = arith.constant 0 : i32
    %dma_wait3A_26 = arith.constant 0 : i32
    %dma_wait3A_27 = tpu.memref_slice %arg2[%dma_wait3A_25, %dma_wait3A_26] : memref<4096x128xf32, #tpu.memory_space<hbm>> -> memref<4096x128xf32, #tpu.memory_space<hbm>>
    tpu.wait_indirect_dma semaphore(%arg13 : memref<!tpu.dma_semaphore, #tpu.memory_space<semaphore_mem>>) src(%dma_wait3A_27 : memref<4096x128xf32, #tpu.memory_space<hbm>>) dst(%arg7 : memref<128x128xf32, #tpu.memory_space<vmem>>)
    %dma_wait3A_28 = arith.constant 0 : i32
    %dma_wait3A_29 = arith.constant 0 : i32
    %dma_wait3A_30 = tpu.memref_slice %arg2[%dma_wait3A_28, %dma_wait3A_29] : memref<4096x128xf32, #tpu.memory_space<hbm>> -> memref<4096x128xf32, #tpu.memory_space<hbm>>
    tpu.wait_indirect_dma semaphore(%arg13 : memref<!tpu.dma_semaphore, #tpu.memory_space<semaphore_mem>>) src(%dma_wait3A_30 : memref<4096x128xf32, #tpu.memory_space<hbm>>) dst(%arg8 : memref<128x128xf32, #tpu.memory_space<vmem>>)
    %scan3A = arith.constant 0 : i32
    %scan3A_31 = arith.constant 0 : i32
    %scan3A_32 = arith.constant 128 : i32
    %scan3A_33 = arith.addi %scan3A_31, %scan3A_32 : i32
    %scan3A_34 = arith.constant 2 : i32
    scf.for %scan3A_36 = %scan3A_31 to %scan3A_33 step %scan3A_34  : i32 {
      %broadcast_in_dim3A = arith.constant 0.000000e+00 : f32
      %broadcast_in_dim3A_37 = vector.broadcast %broadcast_in_dim3A : f32 to vector<16xf32>
      %broadcast_in_dim3A_38 = arith.constant 0.000000e+00 : f32
      %broadcast_in_dim3A_39 = vector.broadcast %broadcast_in_dim3A_38 : f32 to vector<16xf32>
      %get3A = arith.index_cast %scan3A_36 : i32 to index
      %get3A_40 = arith.constant 0 : index
      %get3A_41 = tpu.vector_load %arg6[%get3A, %get3A_40] {strides = array<i32>} : memref<128x128xf32, #tpu.memory_space<vmem>>, vector<1x16xf32>,
      %get3A_42 = vector.shape_cast %get3A_41 : vector<1x16xf32> to vector<16xf32>
      %get3A_43 = arith.index_cast %scan3A_36 : i32 to index
      %get3A_44 = arith.constant 0 : index
      %get3A_45 = tpu.vector_load %arg5[%get3A_43, %get3A_44] {strides = array<i32>} : memref<128x128xf32, #tpu.memory_space<vmem>>, vector<1x16xf32>,
      %get3A_46 = vector.shape_cast %get3A_45 : vector<1x16xf32> to vector<16xf32>
      %sub3A = arith.subf %get3A_42, %get3A_46 : vector<16xf32>
      %get3A_47 = arith.index_cast %scan3A_36 : i32 to index
      %get3A_48 = arith.constant 16 : index
      %get3A_49 = tpu.vector_load %arg6[%get3A_47, %get3A_48] {strides = array<i32>} : memref<128x128xf32, #tpu.memory_space<vmem>>, vector<1x16xf32>,
      %get3A_50 = vector.shape_cast %get3A_49 : vector<1x16xf32> to vector<16xf32>
      %get3A_51 = arith.index_cast %scan3A_36 : i32 to index
      %get3A_52 = arith.constant 16 : index
      %get3A_53 = tpu.vector_load %arg5[%get3A_51, %get3A_52] {strides = array<i32>} : memref<128x128xf32, #tpu.memory_space<vmem>>, vector<1x16xf32>,
      %get3A_54 = vector.shape_cast %get3A_53 : vector<1x16xf32> to vector<16xf32>
      %sub3A_55 = arith.subf %get3A_50, %get3A_54 : vector<16xf32>
      %mul3A_56 = arith.mulf %sub3A, %sub3A : vector<16xf32>
      %add3A_57 = arith.addf %broadcast_in_dim3A_37, %mul3A_56 : vector<16xf32>
      %mul3A_58 = arith.mulf %sub3A_55, %sub3A_55 : vector<16xf32>
      %add3A_59 = arith.addf %broadcast_in_dim3A_39, %mul3A_58 : vector<16xf32>
      %get3A_60 = arith.index_cast %scan3A_36 : i32 to index
      %get3A_61 = arith.constant 32 : index
      %get3A_62 = tpu.vector_load %arg6[%get3A_60, %get3A_61] {strides = array<i32>} : memref<128x128xf32, #tpu.memory_space<vmem>>, vector<1x16xf32>,
      %get3A_63 = vector.shape_cast %get3A_62 : vector<1x16xf32> to vector<16xf32>
      %get3A_64 = arith.index_cast %scan3A_36 : i32 to index
      %get3A_65 = arith.constant 32 : index
      %get3A_66 = tpu.vector_load %arg5[%get3A_64, %get3A_65] {strides = array<i32>} : memref<128x128xf32, #tpu.memory_space<vmem>>, vector<1x16xf32>,
      %get3A_67 = vector.shape_cast %get3A_66 : vector<1x16xf32> to vector<16xf32>
      %sub3A_68 = arith.subf %get3A_63, %get3A_67 : vector<16xf32>
      %get3A_69 = arith.index_cast %scan3A_36 : i32 to index
      %get3A_70 = arith.constant 48 : index
      %get3A_71 = tpu.vector_load %arg6[%get3A_69, %get3A_70] {strides = array<i32>} : memref<128x128xf32, #tpu.memory_space<vmem>>, vector<1x16xf32>,
      %get3A_72 = vector.shape_cast %get3A_71 : vector<1x16xf32> to vector<16xf32>
      %get3A_73 = arith.index_cast %scan3A_36 : i32 to index
      %get3A_74 = arith.constant 48 : index
      %get3A_75 = tpu.vector_load %arg5[%get3A_73, %get3A_74] {strides = array<i32>} : memref<128x128xf32, #tpu.memory_space<vmem>>, vector<1x16xf32>,
      %get3A_76 = vector.shape_cast %get3A_75 : vector<1x16xf32> to vector<16xf32>
      %sub3A_77 = arith.subf %get3A_72, %get3A_76 : vector<16xf32>
      %mul3A_78 = arith.mulf %sub3A_68, %sub3A_68 : vector<16xf32>
      %add3A_79 = arith.addf %add3A_57, %mul3A_78 : vector<16xf32>
      %mul3A_80 = arith.mulf %sub3A_77, %sub3A_77 : vector<16xf32>
      %add3A_81 = arith.addf %add3A_59, %mul3A_80 : vector<16xf32>
      %get3A_82 = arith.index_cast %scan3A_36 : i32 to index
      %get3A_83 = arith.constant 64 : index
      %get3A_84 = tpu.vector_load %arg6[%get3A_82, %get3A_83] {strides = array<i32>} : memref<128x128xf32, #tpu.memory_space<vmem>>, vector<1x16xf32>,
      %get3A_85 = vector.shape_cast %get3A_84 : vector<1x16xf32> to vector<16xf32>
      %get3A_86 = arith.index_cast %scan3A_36 : i32 to index
      %get3A_87 = arith.constant 64 : index
      %get3A_88 = tpu.vector_load %arg5[%get3A_86, %get3A_87] {strides = array<i32>} : memref<128x128xf32, #tpu.memory_space<vmem>>, vector<1x16xf32>,
      %get3A_89 = vector.shape_cast %get3A_88 : vector<1x16xf32> to vector<16xf32>
      %sub3A_90 = arith.subf %get3A_85, %get3A_89 : vector<16xf32>
      %get3A_91 = arith.index_cast %scan3A_36 : i32 to index
      %get3A_92 = arith.constant 80 : index
      %get3A_93 = tpu.vector_load %arg6[%get3A_91, %get3A_92] {strides = array<i32>} : memref<128x128xf32, #tpu.memory_space<vmem>>, vector<1x16xf32>,
      %get3A_94 = vector.shape_cast %get3A_93 : vector<1x16xf32> to vector<16xf32>
      %get3A_95 = arith.index_cast %scan3A_36 : i32 to index
      %get3A_96 = arith.constant 80 : index
      %get3A_97 = tpu.vector_load %arg5[%get3A_95, %get3A_96] {strides = array<i32>} : memref<128x128xf32, #tpu.memory_space<vmem>>, vector<1x16xf32>,
      %get3A_98 = vector.shape_cast %get3A_97 : vector<1x16xf32> to vector<16xf32>
      %sub3A_99 = arith.subf %get3A_94, %get3A_98 : vector<16xf32>
      %mul3A_100 = arith.mulf %sub3A_90, %sub3A_90 : vector<16xf32>
      %add3A_101 = arith.addf %add3A_79, %mul3A_100 : vector<16xf32>
      %mul3A_102 = arith.mulf %sub3A_99, %sub3A_99 : vector<16xf32>
      %add3A_103 = arith.addf %add3A_81, %mul3A_102 : vector<16xf32>
      %get3A_104 = arith.index_cast %scan3A_36 : i32 to index
      %get3A_105 = arith.constant 96 : index
      %get3A_106 = tpu.vector_load %arg6[%get3A_104, %get3A_105] {strides = array<i32>} : memref<128x128xf32, #tpu.memory_space<vmem>>, vector<1x16xf32>,
      %get3A_107 = vector.shape_cast %get3A_106 : vector<1x16xf32> to vector<16xf32>
      %get3A_108 = arith.index_cast %scan3A_36 : i32 to index
      %get3A_109 = arith.constant 96 : index
      %get3A_110 = tpu.vector_load %arg5[%get3A_108, %get3A_109] {strides = array<i32>} : memref<128x128xf32, #tpu.memory_space<vmem>>, vector<1x16xf32>,
      %get3A_111 = vector.shape_cast %get3A_110 : vector<1x16xf32> to vector<16xf32>
      %sub3A_112 = arith.subf %get3A_107, %get3A_111 : vector<16xf32>
      %get3A_113 = arith.index_cast %scan3A_36 : i32 to index
      %get3A_114 = arith.constant 112 : index
      %get3A_115 = tpu.vector_load %arg6[%get3A_113, %get3A_114] {strides = array<i32>} : memref<128x128xf32, #tpu.memory_space<vmem>>, vector<1x16xf32>,
      %get3A_116 = vector.shape_cast %get3A_115 : vector<1x16xf32> to vector<16xf32>
      %get3A_117 = arith.index_cast %scan3A_36 : i32 to index
      %get3A_118 = arith.constant 112 : index
      %get3A_119 = tpu.vector_load %arg5[%get3A_117, %get3A_118] {strides = array<i32>} : memref<128x128xf32, #tpu.memory_space<vmem>>, vector<1x16xf32>,
      %get3A_120 = vector.shape_cast %get3A_119 : vector<1x16xf32> to vector<16xf32>
      %sub3A_121 = arith.subf %get3A_116, %get3A_120 : vector<16xf32>
      %mul3A_122 = arith.mulf %sub3A_112, %sub3A_112 : vector<16xf32>
      %add3A_123 = arith.addf %add3A_101, %mul3A_122 : vector<16xf32>
      %mul3A_124 = arith.mulf %sub3A_121, %sub3A_121 : vector<16xf32>
      %add3A_125 = arith.addf %add3A_103, %mul3A_124 : vector<16xf32>
      %add3A_126 = arith.addf %add3A_123, %add3A_125 : vector<16xf32>
      %slice3A = vector.extract_strided_slice %add3A_126 {offsets = [0], sizes = [1], strides = [1]} : vector<16xf32> to vector<1xf32>
      %squeeze3A = vector.extract %slice3A[0] : f32 from vector<1xf32>
      %slice3A_127 = vector.extract_strided_slice %add3A_126 {offsets = [1], sizes = [1], strides = [1]} : vector<16xf32> to vector<1xf32>
      %squeeze3A_128 = vector.extract %slice3A_127[0] : f32 from vector<1xf32>
      %slice3A_129 = vector.extract_strided_slice %add3A_126 {offsets = [2], sizes = [1], strides = [1]} : vector<16xf32> to vector<1xf32>
      %squeeze3A_130 = vector.extract %slice3A_129[0] : f32 from vector<1xf32>
      %slice3A_131 = vector.extract_strided_slice %add3A_126 {offsets = [3], sizes = [1], strides = [1]} : vector<16xf32> to vector<1xf32>
      %squeeze3A_132 = vector.extract %slice3A_131[0] : f32 from vector<1xf32>
      %slice3A_133 = vector.extract_strided_slice %add3A_126 {offsets = [4], sizes = [1], strides = [1]} : vector<16xf32> to vector<1xf32>
      %squeeze3A_134 = vector.extract %slice3A_133[0] : f32 from vector<1xf32>
      %slice3A_135 = vector.extract_strided_slice %add3A_126 {offsets = [5], sizes = [1], strides = [1]} : vector<16xf32> to vector<1xf32>
      %squeeze3A_136 = vector.extract %slice3A_135[0] : f32 from vector<1xf32>
      %slice3A_137 = vector.extract_strided_slice %add3A_126 {offsets = [6], sizes = [1], strides = [1]} : vector<16xf32> to vector<1xf32>
      %squeeze3A_138 = vector.extract %slice3A_137[0] : f32 from vector<1xf32>
      %slice3A_139 = vector.extract_strided_slice %add3A_126 {offsets = [7], sizes = [1], strides = [1]} : vector<16xf32> to vector<1xf32>
      %squeeze3A_140 = vector.extract %slice3A_139[0] : f32 from vector<1xf32>
      %slice3A_141 = vector.extract_strided_slice %add3A_126 {offsets = [8], sizes = [1], strides = [1]} : vector<16xf32> to vector<1xf32>
      %squeeze3A_142 = vector.extract %slice3A_141[0] : f32 from vector<1xf32>
      %slice3A_143 = vector.extract_strided_slice %add3A_126 {offsets = [9], sizes = [1], strides = [1]} : vector<16xf32> to vector<1xf32>
      %squeeze3A_144 = vector.extract %slice3A_143[0] : f32 from vector<1xf32>
      %slice3A_145 = vector.extract_strided_slice %add3A_126 {offsets = [10], sizes = [1], strides = [1]} : vector<16xf32> to vector<1xf32>
      %squeeze3A_146 = vector.extract %slice3A_145[0] : f32 from vector<1xf32>
      %slice3A_147 = vector.extract_strided_slice %add3A_126 {offsets = [11], sizes = [1], strides = [1]} : vector<16xf32> to vector<1xf32>
      %squeeze3A_148 = vector.extract %slice3A_147[0] : f32 from vector<1xf32>
      %slice3A_149 = vector.extract_strided_slice %add3A_126 {offsets = [12], sizes = [1], strides = [1]} : vector<16xf32> to vector<1xf32>
      %squeeze3A_150 = vector.extract %slice3A_149[0] : f32 from vector<1xf32>
      %slice3A_151 = vector.extract_strided_slice %add3A_126 {offsets = [13], sizes = [1], strides = [1]} : vector<16xf32> to vector<1xf32>
      %squeeze3A_152 = vector.extract %slice3A_151[0] : f32 from vector<1xf32>
      %slice3A_153 = vector.extract_strided_slice %add3A_126 {offsets = [14], sizes = [1], strides = [1]} : vector<16xf32> to vector<1xf32>
      %squeeze3A_154 = vector.extract %slice3A_153[0] : f32 from vector<1xf32>
      %slice3A_155 = vector.extract_strided_slice %add3A_126 {offsets = [15], sizes = [1], strides = [1]} : vector<16xf32> to vector<1xf32>
      %squeeze3A_156 = vector.extract %slice3A_155[0] : f32 from vector<1xf32>
      %add3A_157 = arith.addf %squeeze3A, %squeeze3A_128 : f32
      %add3A_158 = arith.addf %squeeze3A_130, %squeeze3A_132 : f32
      %add3A_159 = arith.addf %squeeze3A_134, %squeeze3A_136 : f32
      %add3A_160 = arith.addf %squeeze3A_138, %squeeze3A_140 : f32
      %add3A_161 = arith.addf %squeeze3A_142, %squeeze3A_144 : f32
      %add3A_162 = arith.addf %squeeze3A_146, %squeeze3A_148 : f32
      %add3A_163 = arith.addf %squeeze3A_150, %squeeze3A_152 : f32
      %add3A_164 = arith.addf %squeeze3A_154, %squeeze3A_156 : f32
      %add3A_165 = arith.addf %add3A_157, %add3A_158 : f32
      %add3A_166 = arith.addf %add3A_159, %add3A_160 : f32
      %add3A_167 = arith.addf %add3A_161, %add3A_162 : f32
      %add3A_168 = arith.addf %add3A_163, %add3A_164 : f32
      %add3A_169 = arith.addf %add3A_165, %add3A_166 : f32
      %add3A_170 = arith.addf %add3A_167, %add3A_168 : f32
      %add3A_171 = arith.addf %add3A_169, %add3A_170 : f32
      %broadcast_in_dim3A_172 = vector.broadcast %add3A_171 : f32 to vector<16xf32>
      %max3A = arith.constant 1.000000e-16 : f32
      %max3A_173 = vector.broadcast %max3A : f32 to vector<16xf32>
      %max3A_174 = arith.maximumf %broadcast_in_dim3A_172, %max3A_173 : vector<16xf32>
      %div3A = arith.constant 1.000000e+00 : f32
      %div3A_175 = vector.broadcast %div3A : f32 to vector<16xf32>
      %div3A_176 = arith.divf %div3A_175, %max3A_174 : vector<16xf32>
      %broadcast_in_dim3A_177 = arith.constant 0.000000e+00 : f32
      %broadcast_in_dim3A_178 = vector.broadcast %broadcast_in_dim3A_177 : f32 to vector<16xf32>
      %broadcast_in_dim3A_179 = arith.constant 0.000000e+00 : f32
      %broadcast_in_dim3A_180 = vector.broadcast %broadcast_in_dim3A_179 : f32 to vector<16xf32>
      %get3A_181 = arith.index_cast %scan3A_36 : i32 to index
      %get3A_182 = arith.constant 0 : index
      %get3A_183 = tpu.vector_load %arg7[%get3A_181, %get3A_182] {strides = array<i32>} : memref<128x128xf32, #tpu.memory_space<vmem>>, vector<1x16xf32>,
      %get3A_184 = vector.shape_cast %get3A_183 : vector<1x16xf32> to vector<16xf32>
      %get3A_185 = arith.index_cast %scan3A_36 : i32 to index
      %get3A_186 = arith.constant 0 : index
      %get3A_187 = tpu.vector_load %arg5[%get3A_185, %get3A_186] {strides = array<i32>} : memref<128x128xf32, #tpu.memory_space<vmem>>, vector<1x16xf32>,
      %get3A_188 = vector.shape_cast %get3A_187 : vector<1x16xf32> to vector<16xf32>
      %sub3A_189 = arith.subf %get3A_184, %get3A_188 : vector<16xf32>
      %get3A_190 = arith.index_cast %scan3A_36 : i32 to index
      %get3A_191 = arith.constant 16 : index
      %get3A_192 = tpu.vector_load %arg7[%get3A_190, %get3A_191] {strides = array<i32>} : memref<128x128xf32, #tpu.memory_space<vmem>>, vector<1x16xf32>,
      %get3A_193 = vector.shape_cast %get3A_192 : vector<1x16xf32> to vector<16xf32>
      %get3A_194 = arith.index_cast %scan3A_36 : i32 to index
      %get3A_195 = arith.constant 16 : index
      %get3A_196 = tpu.vector_load %arg5[%get3A_194, %get3A_195] {strides = array<i32>} : memref<128x128xf32, #tpu.memory_space<vmem>>, vector<1x16xf32>,
      %get3A_197 = vector.shape_cast %get3A_196 : vector<1x16xf32> to vector<16xf32>
      %sub3A_198 = arith.subf %get3A_193, %get3A_197 : vector<16xf32>
      %mul3A_199 = arith.mulf %sub3A_189, %sub3A_189 : vector<16xf32>
      %add3A_200 = arith.addf %broadcast_in_dim3A_178, %mul3A_199 : vector<16xf32>
      %mul3A_201 = arith.mulf %sub3A_198, %sub3A_198 : vector<16xf32>
      %add3A_202 = arith.addf %broadcast_in_dim3A_180, %mul3A_201 : vector<16xf32>
      %get3A_203 = arith.index_cast %scan3A_36 : i32 to index
      %get3A_204 = arith.constant 32 : index
      %get3A_205 = tpu.vector_load %arg7[%get3A_203, %get3A_204] {strides = array<i32>} : memref<128x128xf32, #tpu.memory_space<vmem>>, vector<1x16xf32>,
      %get3A_206 = vector.shape_cast %get3A_205 : vector<1x16xf32> to vector<16xf32>
      %get3A_207 = arith.index_cast %scan3A_36 : i32 to index
      %get3A_208 = arith.constant 32 : index
      %get3A_209 = tpu.vector_load %arg5[%get3A_207, %get3A_208] {strides = array<i32>} : memref<128x128xf32, #tpu.memory_space<vmem>>, vector<1x16xf32>,
      %get3A_210 = vector.shape_cast %get3A_209 : vector<1x16xf32> to vector<16xf32>
      %sub3A_211 = arith.subf %get3A_206, %get3A_210 : vector<16xf32>
      %get3A_212 = arith.index_cast %scan3A_36 : i32 to index
      %get3A_213 = arith.constant 48 : index
      %get3A_214 = tpu.vector_load %arg7[%get3A_212, %get3A_213] {strides = array<i32>} : memref<128x128xf32, #tpu.memory_space<vmem>>, vector<1x16xf32>,
      %get3A_215 = vector.shape_cast %get3A_214 : vector<1x16xf32> to vector<16xf32>
      %get3A_216 = arith.index_cast %scan3A_36 : i32 to index
      %get3A_217 = arith.constant 48 : index
      %get3A_218 = tpu.vector_load %arg5[%get3A_216, %get3A_217] {strides = array<i32>} : memref<128x128xf32, #tpu.memory_space<vmem>>, vector<1x16xf32>,
      %get3A_219 = vector.shape_cast %get3A_218 : vector<1x16xf32> to vector<16xf32>
      %sub3A_220 = arith.subf %get3A_215, %get3A_219 : vector<16xf32>
      %mul3A_221 = arith.mulf %sub3A_211, %sub3A_211 : vector<16xf32>
      %add3A_222 = arith.addf %add3A_200, %mul3A_221 : vector<16xf32>
      %mul3A_223 = arith.mulf %sub3A_220, %sub3A_220 : vector<16xf32>
      %add3A_224 = arith.addf %add3A_202, %mul3A_223 : vector<16xf32>
      %get3A_225 = arith.index_cast %scan3A_36 : i32 to index
      %get3A_226 = arith.constant 64 : index
      %get3A_227 = tpu.vector_load %arg7[%get3A_225, %get3A_226] {strides = array<i32>} : memref<128x128xf32, #tpu.memory_space<vmem>>, vector<1x16xf32>,
      %get3A_228 = vector.shape_cast %get3A_227 : vector<1x16xf32> to vector<16xf32>
      %get3A_229 = arith.index_cast %scan3A_36 : i32 to index
      %get3A_230 = arith.constant 64 : index
      %get3A_231 = tpu.vector_load %arg5[%get3A_229, %get3A_230] {strides = array<i32>} : memref<128x128xf32, #tpu.memory_space<vmem>>, vector<1x16xf32>,
      %get3A_232 = vector.shape_cast %get3A_231 : vector<1x16xf32> to vector<16xf32>
      %sub3A_233 = arith.subf %get3A_228, %get3A_232 : vector<16xf32>
      %get3A_234 = arith.index_cast %scan3A_36 : i32 to index
      %get3A_235 = arith.constant 80 : index
      %get3A_236 = tpu.vector_load %arg7[%get3A_234, %get3A_235] {strides = array<i32>} : memref<128x128xf32, #tpu.memory_space<vmem>>, vector<1x16xf32>,
      %get3A_237 = vector.shape_cast %get3A_236 : vector<1x16xf32> to vector<16xf32>
      %get3A_238 = arith.index_cast %scan3A_36 : i32 to index
      %get3A_239 = arith.constant 80 : index
      %get3A_240 = tpu.vector_load %arg5[%get3A_238, %get3A_239] {strides = array<i32>} : memref<128x128xf32, #tpu.memory_space<vmem>>, vector<1x16xf32>,
      %get3A_241 = vector.shape_cast %get3A_240 : vector<1x16xf32> to vector<16xf32>
      %sub3A_242 = arith.subf %get3A_237, %get3A_241 : vector<16xf32>
      %mul3A_243 = arith.mulf %sub3A_233, %sub3A_233 : vector<16xf32>
      %add3A_244 = arith.addf %add3A_222, %mul3A_243 : vector<16xf32>
      %mul3A_245 = arith.mulf %sub3A_242, %sub3A_242 : vector<16xf32>
      %add3A_246 = arith.addf %add3A_224, %mul3A_245 : vector<16xf32>
      %get3A_247 = arith.index_cast %scan3A_36 : i32 to index
      %get3A_248 = arith.constant 96 : index
      %get3A_249 = tpu.vector_load %arg7[%get3A_247, %get3A_248] {strides = array<i32>} : memref<128x128xf32, #tpu.memory_space<vmem>>, vector<1x16xf32>,
      %get3A_250 = vector.shape_cast %get3A_249 : vector<1x16xf32> to vector<16xf32>
      %get3A_251 = arith.index_cast %scan3A_36 : i32 to index
      %get3A_252 = arith.constant 96 : index
      %get3A_253 = tpu.vector_load %arg5[%get3A_251, %get3A_252] {strides = array<i32>} : memref<128x128xf32, #tpu.memory_space<vmem>>, vector<1x16xf32>,
      %get3A_254 = vector.shape_cast %get3A_253 : vector<1x16xf32> to vector<16xf32>
      %sub3A_255 = arith.subf %get3A_250, %get3A_254 : vector<16xf32>
      %get3A_256 = arith.index_cast %scan3A_36 : i32 to index
      %get3A_257 = arith.constant 112 : index
      %get3A_258 = tpu.vector_load %arg7[%get3A_256, %get3A_257] {strides = array<i32>} : memref<128x128xf32, #tpu.memory_space<vmem>>, vector<1x16xf32>,
      %get3A_259 = vector.shape_cast %get3A_258 : vector<1x16xf32> to vector<16xf32>
      %get3A_260 = arith.index_cast %scan3A_36 : i32 to index
      %get3A_261 = arith.constant 112 : index
      %get3A_262 = tpu.vector_load %arg5[%get3A_260, %get3A_261] {strides = array<i32>} : memref<128x128xf32, #tpu.memory_space<vmem>>, vector<1x16xf32>,
      %get3A_263 = vector.shape_cast %get3A_262 : vector<1x16xf32> to vector<16xf32>
      %sub3A_264 = arith.subf %get3A_259, %get3A_263 : vector<16xf32>
      %mul3A_265 = arith.mulf %sub3A_255, %sub3A_255 : vector<16xf32>
      %add3A_266 = arith.addf %add3A_244, %mul3A_265 : vector<16xf32>
      %mul3A_267 = arith.mulf %sub3A_264, %sub3A_264 : vector<16xf32>
      %add3A_268 = arith.addf %add3A_246, %mul3A_267 : vector<16xf32>
      %add3A_269 = arith.addf %add3A_266, %add3A_268 : vector<16xf32>
      %slice3A_270 = vector.extract_strided_slice %add3A_269 {offsets = [0], sizes = [1], strides = [1]} : vector<16xf32> to vector<1xf32>
      %squeeze3A_271 = vector.extract %slice3A_270[0] : f32 from vector<1xf32>
      %slice3A_272 = vector.extract_strided_slice %add3A_269 {offsets = [1], sizes = [1], strides = [1]} : vector<16xf32> to vector<1xf32>
      %squeeze3A_273 = vector.extract %slice3A_272[0] : f32 from vector<1xf32>
      %slice3A_274 = vector.extract_strided_slice %add3A_269 {offsets = [2], sizes = [1], strides = [1]} : vector<16xf32> to vector<1xf32>
      %squeeze3A_275 = vector.extract %slice3A_274[0] : f32 from vector<1xf32>
      %slice3A_276 = vector.extract_strided_slice %add3A_269 {offsets = [3], sizes = [1], strides = [1]} : vector<16xf32> to vector<1xf32>
      %squeeze3A_277 = vector.extract %slice3A_276[0] : f32 from vector<1xf32>
      %slice3A_278 = vector.extract_strided_slice %add3A_269 {offsets = [4], sizes = [1], strides = [1]} : vector<16xf32> to vector<1xf32>
      %squeeze3A_279 = vector.extract %slice3A_278[0] : f32 from vector<1xf32>
      %slice3A_280 = vector.extract_strided_slice %add3A_269 {offsets = [5], sizes = [1], strides = [1]} : vector<16xf32> to vector<1xf32>
      %squeeze3A_281 = vector.extract %slice3A_280[0] : f32 from vector<1xf32>
      %slice3A_282 = vector.extract_strided_slice %add3A_269 {offsets = [6], sizes = [1], strides = [1]} : vector<16xf32> to vector<1xf32>
      %squeeze3A_283 = vector.extract %slice3A_282[0] : f32 from vector<1xf32>
      %slice3A_284 = vector.extract_strided_slice %add3A_269 {offsets = [7], sizes = [1], strides = [1]} : vector<16xf32> to vector<1xf32>
      %squeeze3A_285 = vector.extract %slice3A_284[0] : f32 from vector<1xf32>
      %slice3A_286 = vector.extract_strided_slice %add3A_269 {offsets = [8], sizes = [1], strides = [1]} : vector<16xf32> to vector<1xf32>
      %squeeze3A_287 = vector.extract %slice3A_286[0] : f32 from vector<1xf32>
      %slice3A_288 = vector.extract_strided_slice %add3A_269 {offsets = [9], sizes = [1], strides = [1]} : vector<16xf32> to vector<1xf32>
      %squeeze3A_289 = vector.extract %slice3A_288[0] : f32 from vector<1xf32>
      %slice3A_290 = vector.extract_strided_slice %add3A_269 {offsets = [10], sizes = [1], strides = [1]} : vector<16xf32> to vector<1xf32>
      %squeeze3A_291 = vector.extract %slice3A_290[0] : f32 from vector<1xf32>
      %slice3A_292 = vector.extract_strided_slice %add3A_269 {offsets = [11], sizes = [1], strides = [1]} : vector<16xf32> to vector<1xf32>
      %squeeze3A_293 = vector.extract %slice3A_292[0] : f32 from vector<1xf32>
      %slice3A_294 = vector.extract_strided_slice %add3A_269 {offsets = [12], sizes = [1], strides = [1]} : vector<16xf32> to vector<1xf32>
      %squeeze3A_295 = vector.extract %slice3A_294[0] : f32 from vector<1xf32>
      %slice3A_296 = vector.extract_strided_slice %add3A_269 {offsets = [13], sizes = [1], strides = [1]} : vector<16xf32> to vector<1xf32>
      %squeeze3A_297 = vector.extract %slice3A_296[0] : f32 from vector<1xf32>
      %slice3A_298 = vector.extract_strided_slice %add3A_269 {offsets = [14], sizes = [1], strides = [1]} : vector<16xf32> to vector<1xf32>
      %squeeze3A_299 = vector.extract %slice3A_298[0] : f32 from vector<1xf32>
      %slice3A_300 = vector.extract_strided_slice %add3A_269 {offsets = [15], sizes = [1], strides = [1]} : vector<16xf32> to vector<1xf32>
      %squeeze3A_301 = vector.extract %slice3A_300[0] : f32 from vector<1xf32>
      %add3A_302 = arith.addf %squeeze3A_271, %squeeze3A_273 : f32
      %add3A_303 = arith.addf %squeeze3A_275, %squeeze3A_277 : f32
      %add3A_304 = arith.addf %squeeze3A_279, %squeeze3A_281 : f32
      %add3A_305 = arith.addf %squeeze3A_283, %squeeze3A_285 : f32
      %add3A_306 = arith.addf %squeeze3A_287, %squeeze3A_289 : f32
      %add3A_307 = arith.addf %squeeze3A_291, %squeeze3A_293 : f32
      %add3A_308 = arith.addf %squeeze3A_295, %squeeze3A_297 : f32
      %add3A_309 = arith.addf %squeeze3A_299, %squeeze3A_301 : f32
      %add3A_310 = arith.addf %add3A_302, %add3A_303 : f32
      %add3A_311 = arith.addf %add3A_304, %add3A_305 : f32
      %add3A_312 = arith.addf %add3A_306, %add3A_307 : f32
      %add3A_313 = arith.addf %add3A_308, %add3A_309 : f32
      %add3A_314 = arith.addf %add3A_310, %add3A_311 : f32
      %add3A_315 = arith.addf %add3A_312, %add3A_313 : f32
      %add3A_316 = arith.addf %add3A_314, %add3A_315 : f32
      %broadcast_in_dim3A_317 = vector.broadcast %add3A_316 : f32 to vector<16xf32>
      %max3A_318 = arith.constant 1.000000e-16 : f32
      %max3A_319 = vector.broadcast %max3A_318 : f32 to vector<16xf32>
      %max3A_320 = arith.maximumf %broadcast_in_dim3A_317, %max3A_319 : vector<16xf32>
      %div3A_321 = arith.constant 1.000000e+00 : f32
      %div3A_322 = vector.broadcast %div3A_321 : f32 to vector<16xf32>
      %div3A_323 = arith.divf %div3A_322, %max3A_320 : vector<16xf32>
      %broadcast_in_dim3A_324 = arith.constant 0.000000e+00 : f32
      %broadcast_in_dim3A_325 = vector.broadcast %broadcast_in_dim3A_324 : f32 to vector<16xf32>
      %broadcast_in_dim3A_326 = arith.constant 0.000000e+00 : f32
      %broadcast_in_dim3A_327 = vector.broadcast %broadcast_in_dim3A_326 : f32 to vector<16xf32>
      %get3A_328 = arith.index_cast %scan3A_36 : i32 to index
      %get3A_329 = arith.constant 0 : index
      %get3A_330 = tpu.vector_load %arg8[%get3A_328, %get3A_329] {strides = array<i32>} : memref<128x128xf32, #tpu.memory_space<vmem>>, vector<1x16xf32>,
      %get3A_331 = vector.shape_cast %get3A_330 : vector<1x16xf32> to vector<16xf32>
      %get3A_332 = arith.index_cast %scan3A_36 : i32 to index
      %get3A_333 = arith.constant 0 : index
      %get3A_334 = tpu.vector_load %arg5[%get3A_332, %get3A_333] {strides = array<i32>} : memref<128x128xf32, #tpu.memory_space<vmem>>, vector<1x16xf32>,
      %get3A_335 = vector.shape_cast %get3A_334 : vector<1x16xf32> to vector<16xf32>
      %sub3A_336 = arith.subf %get3A_331, %get3A_335 : vector<16xf32>
      %get3A_337 = arith.index_cast %scan3A_36 : i32 to index
      %get3A_338 = arith.constant 16 : index
      %get3A_339 = tpu.vector_load %arg8[%get3A_337, %get3A_338] {strides = array<i32>} : memref<128x128xf32, #tpu.memory_space<vmem>>, vector<1x16xf32>,
      %get3A_340 = vector.shape_cast %get3A_339 : vector<1x16xf32> to vector<16xf32>
      %get3A_341 = arith.index_cast %scan3A_36 : i32 to index
      %get3A_342 = arith.constant 16 : index
      %get3A_343 = tpu.vector_load %arg5[%get3A_341, %get3A_342] {strides = array<i32>} : memref<128x128xf32, #tpu.memory_space<vmem>>, vector<1x16xf32>,
      %get3A_344 = vector.shape_cast %get3A_343 : vector<1x16xf32> to vector<16xf32>
      %sub3A_345 = arith.subf %get3A_340, %get3A_344 : vector<16xf32>
      %mul3A_346 = arith.mulf %sub3A_336, %sub3A_336 : vector<16xf32>
      %add3A_347 = arith.addf %broadcast_in_dim3A_325, %mul3A_346 : vector<16xf32>
      %mul3A_348 = arith.mulf %sub3A_345, %sub3A_345 : vector<16xf32>
      %add3A_349 = arith.addf %broadcast_in_dim3A_327, %mul3A_348 : vector<16xf32>
      %get3A_350 = arith.index_cast %scan3A_36 : i32 to index
      %get3A_351 = arith.constant 32 : index
      %get3A_352 = tpu.vector_load %arg8[%get3A_350, %get3A_351] {strides = array<i32>} : memref<128x128xf32, #tpu.memory_space<vmem>>, vector<1x16xf32>,
      %get3A_353 = vector.shape_cast %get3A_352 : vector<1x16xf32> to vector<16xf32>
      %get3A_354 = arith.index_cast %scan3A_36 : i32 to index
      %get3A_355 = arith.constant 32 : index
      %get3A_356 = tpu.vector_load %arg5[%get3A_354, %get3A_355] {strides = array<i32>} : memref<128x128xf32, #tpu.memory_space<vmem>>, vector<1x16xf32>,
      %get3A_357 = vector.shape_cast %get3A_356 : vector<1x16xf32> to vector<16xf32>
      %sub3A_358 = arith.subf %get3A_353, %get3A_357 : vector<16xf32>
      %get3A_359 = arith.index_cast %scan3A_36 : i32 to index
      %get3A_360 = arith.constant 48 : index
      %get3A_361 = tpu.vector_load %arg8[%get3A_359, %get3A_360] {strides = array<i32>} : memref<128x128xf32, #tpu.memory_space<vmem>>, vector<1x16xf32>,
      %get3A_362 = vector.shape_cast %get3A_361 : vector<1x16xf32> to vector<16xf32>
      %get3A_363 = arith.index_cast %scan3A_36 : i32 to index
      %get3A_364 = arith.constant 48 : index
      %get3A_365 = tpu.vector_load %arg5[%get3A_363, %get3A_364] {strides = array<i32>} : memref<128x128xf32, #tpu.memory_space<vmem>>, vector<1x16xf32>,
      %get3A_366 = vector.shape_cast %get3A_365 : vector<1x16xf32> to vector<16xf32>
      %sub3A_367 = arith.subf %get3A_362, %get3A_366 : vector<16xf32>
      %mul3A_368 = arith.mulf %sub3A_358, %sub3A_358 : vector<16xf32>
      %add3A_369 = arith.addf %add3A_347, %mul3A_368 : vector<16xf32>
      %mul3A_370 = arith.mulf %sub3A_367, %sub3A_367 : vector<16xf32>
      %add3A_371 = arith.addf %add3A_349, %mul3A_370 : vector<16xf32>
      %get3A_372 = arith.index_cast %scan3A_36 : i32 to index
      %get3A_373 = arith.constant 64 : index
      %get3A_374 = tpu.vector_load %arg8[%get3A_372, %get3A_373] {strides = array<i32>} : memref<128x128xf32, #tpu.memory_space<vmem>>, vector<1x16xf32>,
      %get3A_375 = vector.shape_cast %get3A_374 : vector<1x16xf32> to vector<16xf32>
      %get3A_376 = arith.index_cast %scan3A_36 : i32 to index
      %get3A_377 = arith.constant 64 : index
      %get3A_378 = tpu.vector_load %arg5[%get3A_376, %get3A_377] {strides = array<i32>} : memref<128x128xf32, #tpu.memory_space<vmem>>, vector<1x16xf32>,
      %get3A_379 = vector.shape_cast %get3A_378 : vector<1x16xf32> to vector<16xf32>
      %sub3A_380 = arith.subf %get3A_375, %get3A_379 : vector<16xf32>
      %get3A_381 = arith.index_cast %scan3A_36 : i32 to index
      %get3A_382 = arith.constant 80 : index
      %get3A_383 = tpu.vector_load %arg8[%get3A_381, %get3A_382] {strides = array<i32>} : memref<128x128xf32, #tpu.memory_space<vmem>>, vector<1x16xf32>,
      %get3A_384 = vector.shape_cast %get3A_383 : vector<1x16xf32> to vector<16xf32>
      %get3A_385 = arith.index_cast %scan3A_36 : i32 to index
      %get3A_386 = arith.constant 80 : index
      %get3A_387 = tpu.vector_load %arg5[%get3A_385, %get3A_386] {strides = array<i32>} : memref<128x128xf32, #tpu.memory_space<vmem>>, vector<1x16xf32>,
      %get3A_388 = vector.shape_cast %get3A_387 : vector<1x16xf32> to vector<16xf32>
      %sub3A_389 = arith.subf %get3A_384, %get3A_388 : vector<16xf32>
      %mul3A_390 = arith.mulf %sub3A_380, %sub3A_380 : vector<16xf32>
      %add3A_391 = arith.addf %add3A_369, %mul3A_390 : vector<16xf32>
      %mul3A_392 = arith.mulf %sub3A_389, %sub3A_389 : vector<16xf32>
      %add3A_393 = arith.addf %add3A_371, %mul3A_392 : vector<16xf32>
      %get3A_394 = arith.index_cast %scan3A_36 : i32 to index
      %get3A_395 = arith.constant 96 : index
      %get3A_396 = tpu.vector_load %arg8[%get3A_394, %get3A_395] {strides = array<i32>} : memref<128x128xf32, #tpu.memory_space<vmem>>, vector<1x16xf32>,
      %get3A_397 = vector.shape_cast %get3A_396 : vector<1x16xf32> to vector<16xf32>
      %get3A_398 = arith.index_cast %scan3A_36 : i32 to index
      %get3A_399 = arith.constant 96 : index
      %get3A_400 = tpu.vector_load %arg5[%get3A_398, %get3A_399] {strides = array<i32>} : memref<128x128xf32, #tpu.memory_space<vmem>>, vector<1x16xf32>,
      %get3A_401 = vector.shape_cast %get3A_400 : vector<1x16xf32> to vector<16xf32>
      %sub3A_402 = arith.subf %get3A_397, %get3A_401 : vector<16xf32>
      %get3A_403 = arith.index_cast %scan3A_36 : i32 to index
      %get3A_404 = arith.constant 112 : index
      %get3A_405 = tpu.vector_load %arg8[%get3A_403, %get3A_404] {strides = array<i32>} : memref<128x128xf32, #tpu.memory_space<vmem>>, vector<1x16xf32>,
      %get3A_406 = vector.shape_cast %get3A_405 : vector<1x16xf32> to vector<16xf32>
      %get3A_407 = arith.index_cast %scan3A_36 : i32 to index
      %get3A_408 = arith.constant 112 : index
      %get3A_409 = tpu.vector_load %arg5[%get3A_407, %get3A_408] {strides = array<i32>} : memref<128x128xf32, #tpu.memory_space<vmem>>, vector<1x16xf32>,
      %get3A_410 = vector.shape_cast %get3A_409 : vector<1x16xf32> to vector<16xf32>
      %sub3A_411 = arith.subf %get3A_406, %get3A_410 : vector<16xf32>
      %mul3A_412 = arith.mulf %sub3A_402, %sub3A_402 : vector<16xf32>
      %add3A_413 = arith.addf %add3A_391, %mul3A_412 : vector<16xf32>
      %mul3A_414 = arith.mulf %sub3A_411, %sub3A_411 : vector<16xf32>
      %add3A_415 = arith.addf %add3A_393, %mul3A_414 : vector<16xf32>
      %add3A_416 = arith.addf %add3A_413, %add3A_415 : vector<16xf32>
      %slice3A_417 = vector.extract_strided_slice %add3A_416 {offsets = [0], sizes = [1], strides = [1]} : vector<16xf32> to vector<1xf32>
      %squeeze3A_418 = vector.extract %slice3A_417[0] : f32 from vector<1xf32>
      %slice3A_419 = vector.extract_strided_slice %add3A_416 {offsets = [1], sizes = [1], strides = [1]} : vector<16xf32> to vector<1xf32>
      %squeeze3A_420 = vector.extract %slice3A_419[0] : f32 from vector<1xf32>
      %slice3A_421 = vector.extract_strided_slice %add3A_416 {offsets = [2], sizes = [1], strides = [1]} : vector<16xf32> to vector<1xf32>
      %squeeze3A_422 = vector.extract %slice3A_421[0] : f32 from vector<1xf32>
      %slice3A_423 = vector.extract_strided_slice %add3A_416 {offsets = [3], sizes = [1], strides = [1]} : vector<16xf32> to vector<1xf32>
      %squeeze3A_424 = vector.extract %slice3A_423[0] : f32 from vector<1xf32>
      %slice3A_425 = vector.extract_strided_slice %add3A_416 {offsets = [4], sizes = [1], strides = [1]} : vector<16xf32> to vector<1xf32>
      %squeeze3A_426 = vector.extract %slice3A_425[0] : f32 from vector<1xf32>
      %slice3A_427 = vector.extract_strided_slice %add3A_416 {offsets = [5], sizes = [1], strides = [1]} : vector<16xf32> to vector<1xf32>
      %squeeze3A_428 = vector.extract %slice3A_427[0] : f32 from vector<1xf32>
      %slice3A_429 = vector.extract_strided_slice %add3A_416 {offsets = [6], sizes = [1], strides = [1]} : vector<16xf32> to vector<1xf32>
      %squeeze3A_430 = vector.extract %slice3A_429[0] : f32 from vector<1xf32>
      %slice3A_431 = vector.extract_strided_slice %add3A_416 {offsets = [7], sizes = [1], strides = [1]} : vector<16xf32> to vector<1xf32>
      %squeeze3A_432 = vector.extract %slice3A_431[0] : f32 from vector<1xf32>
      %slice3A_433 = vector.extract_strided_slice %add3A_416 {offsets = [8], sizes = [1], strides = [1]} : vector<16xf32> to vector<1xf32>
      %squeeze3A_434 = vector.extract %slice3A_433[0] : f32 from vector<1xf32>
      %slice3A_435 = vector.extract_strided_slice %add3A_416 {offsets = [9], sizes = [1], strides = [1]} : vector<16xf32> to vector<1xf32>
      %squeeze3A_436 = vector.extract %slice3A_435[0] : f32 from vector<1xf32>
      %slice3A_437 = vector.extract_strided_slice %add3A_416 {offsets = [10], sizes = [1], strides = [1]} : vector<16xf32> to vector<1xf32>
      %squeeze3A_438 = vector.extract %slice3A_437[0] : f32 from vector<1xf32>
      %slice3A_439 = vector.extract_strided_slice %add3A_416 {offsets = [11], sizes = [1], strides = [1]} : vector<16xf32> to vector<1xf32>
      %squeeze3A_440 = vector.extract %slice3A_439[0] : f32 from vector<1xf32>
      %slice3A_441 = vector.extract_strided_slice %add3A_416 {offsets = [12], sizes = [1], strides = [1]} : vector<16xf32> to vector<1xf32>
      %squeeze3A_442 = vector.extract %slice3A_441[0] : f32 from vector<1xf32>
      %slice3A_443 = vector.extract_strided_slice %add3A_416 {offsets = [13], sizes = [1], strides = [1]} : vector<16xf32> to vector<1xf32>
      %squeeze3A_444 = vector.extract %slice3A_443[0] : f32 from vector<1xf32>
      %slice3A_445 = vector.extract_strided_slice %add3A_416 {offsets = [14], sizes = [1], strides = [1]} : vector<16xf32> to vector<1xf32>
      %squeeze3A_446 = vector.extract %slice3A_445[0] : f32 from vector<1xf32>
      %slice3A_447 = vector.extract_strided_slice %add3A_416 {offsets = [15], sizes = [1], strides = [1]} : vector<16xf32> to vector<1xf32>
      %squeeze3A_448 = vector.extract %slice3A_447[0] : f32 from vector<1xf32>
      %add3A_449 = arith.addf %squeeze3A_418, %squeeze3A_420 : f32
      %add3A_450 = arith.addf %squeeze3A_422, %squeeze3A_424 : f32
      %add3A_451 = arith.addf %squeeze3A_426, %squeeze3A_428 : f32
      %add3A_452 = arith.addf %squeeze3A_430, %squeeze3A_432 : f32
      %add3A_453 = arith.addf %squeeze3A_434, %squeeze3A_436 : f32
      %add3A_454 = arith.addf %squeeze3A_438, %squeeze3A_440 : f32
      %add3A_455 = arith.addf %squeeze3A_442, %squeeze3A_444 : f32
      %add3A_456 = arith.addf %squeeze3A_446, %squeeze3A_448 : f32
      %add3A_457 = arith.addf %add3A_449, %add3A_450 : f32
      %add3A_458 = arith.addf %add3A_451, %add3A_452 : f32
      %add3A_459 = arith.addf %add3A_453, %add3A_454 : f32
      %add3A_460 = arith.addf %add3A_455, %add3A_456 : f32
      %add3A_461 = arith.addf %add3A_457, %add3A_458 : f32
      %add3A_462 = arith.addf %add3A_459, %add3A_460 : f32
      %add3A_463 = arith.addf %add3A_461, %add3A_462 : f32
      %broadcast_in_dim3A_464 = vector.broadcast %add3A_463 : f32 to vector<16xf32>
      %max3A_465 = arith.constant 1.000000e-16 : f32
      %max3A_466 = vector.broadcast %max3A_465 : f32 to vector<16xf32>
      %max3A_467 = arith.maximumf %broadcast_in_dim3A_464, %max3A_466 : vector<16xf32>
      %div3A_468 = arith.constant 1.000000e+00 : f32
      %div3A_469 = vector.broadcast %div3A_468 : f32 to vector<16xf32>
      %div3A_470 = arith.divf %div3A_469, %max3A_467 : vector<16xf32>
      %add3A_471 = arith.addf %div3A_176, %div3A_323 : vector<16xf32>
      %add3A_472 = arith.addf %add3A_471, %div3A_470 : vector<16xf32>
      %div3A_473 = arith.constant 1.000000e+00 : f32
      %div3A_474 = vector.broadcast %div3A_473 : f32 to vector<16xf32>
      %div3A_475 = arith.divf %div3A_474, %add3A_472 : vector<16xf32>
      %get3A_476 = arith.index_cast %scan3A_36 : i32 to index
      %get3A_477 = arith.constant 0 : index
      %get3A_478 = tpu.vector_load %arg6[%get3A_476, %get3A_477] {strides = array<i32>} : memref<128x128xf32, #tpu.memory_space<vmem>>, vector<1x16xf32>,
      %get3A_479 = vector.shape_cast %get3A_478 : vector<1x16xf32> to vector<16xf32>
      %mul3A_480 = arith.mulf %div3A_176, %get3A_479 : vector<16xf32>
      %get3A_481 = arith.index_cast %scan3A_36 : i32 to index
      %get3A_482 = arith.constant 0 : index
      %get3A_483 = tpu.vector_load %arg7[%get3A_481, %get3A_482] {strides = array<i32>} : memref<128x128xf32, #tpu.memory_space<vmem>>, vector<1x16xf32>,
      %get3A_484 = vector.shape_cast %get3A_483 : vector<1x16xf32> to vector<16xf32>
      %mul3A_485 = arith.mulf %div3A_323, %get3A_484 : vector<16xf32>
      %add3A_486 = arith.addf %mul3A_480, %mul3A_485 : vector<16xf32>
      %get3A_487 = arith.index_cast %scan3A_36 : i32 to index
      %get3A_488 = arith.constant 0 : index
      %get3A_489 = tpu.vector_load %arg8[%get3A_487, %get3A_488] {strides = array<i32>} : memref<128x128xf32, #tpu.memory_space<vmem>>, vector<1x16xf32>,
      %get3A_490 = vector.shape_cast %get3A_489 : vector<1x16xf32> to vector<16xf32>
      %mul3A_491 = arith.mulf %div3A_470, %get3A_490 : vector<16xf32>
      %add3A_492 = arith.addf %add3A_486, %mul3A_491 : vector<16xf32>
      %mul3A_493 = arith.mulf %add3A_492, %div3A_475 : vector<16xf32>
      %swap3A = arith.index_cast %scan3A_36 : i32 to index
      %swap3A_494 = arith.constant 0 : index
      %swap3A_495 = tpu.vector_load %arg12[%swap3A, %swap3A_494] {strides = array<i32>} : memref<128x128xf32, #tpu.memory_space<vmem>>, vector<1x16xf32>,
      %swap3A_496 = vector.shape_cast %swap3A_495 : vector<1x16xf32> to vector<16xf32>
      %swap3A_497 = vector.shape_cast %mul3A_493 : vector<16xf32> to vector<1x16xf32>
      tpu.vector_store %arg12[%swap3A, %swap3A_494], %swap3A_497 {strides = array<i32>} : memref<128x128xf32, #tpu.memory_space<vmem>>, vector<1x16xf32>,
      %get3A_498 = arith.index_cast %scan3A_36 : i32 to index
      %get3A_499 = arith.constant 16 : index
      %get3A_500 = tpu.vector_load %arg6[%get3A_498, %get3A_499] {strides = array<i32>} : memref<128x128xf32, #tpu.memory_space<vmem>>, vector<1x16xf32>,
      %get3A_501 = vector.shape_cast %get3A_500 : vector<1x16xf32> to vector<16xf32>
      %mul3A_502 = arith.mulf %div3A_176, %get3A_501 : vector<16xf32>
      %get3A_503 = arith.index_cast %scan3A_36 : i32 to index
      %get3A_504 = arith.constant 16 : index
      %get3A_505 = tpu.vector_load %arg7[%get3A_503, %get3A_504] {strides = array<i32>} : memref<128x128xf32, #tpu.memory_space<vmem>>, vector<1x16xf32>,
      %get3A_506 = vector.shape_cast %get3A_505 : vector<1x16xf32> to vector<16xf32>
      %mul3A_507 = arith.mulf %div3A_323, %get3A_506 : vector<16xf32>
      %add3A_508 = arith.addf %mul3A_502, %mul3A_507 : vector<16xf32>
      %get3A_509 = arith.index_cast %scan3A_36 : i32 to index
      %get3A_510 = arith.constant 16 : index
      %get3A_511 = tpu.vector_load %arg8[%get3A_509, %get3A_510] {strides = array<i32>} : memref<128x128xf32, #tpu.memory_space<vmem>>, vector<1x16xf32>,
      %get3A_512 = vector.shape_cast %get3A_511 : vector<1x16xf32> to vector<16xf32>
      %mul3A_513 = arith.mulf %div3A_470, %get3A_512 : vector<16xf32>
      %add3A_514 = arith.addf %add3A_508, %mul3A_513 : vector<16xf32>
      %mul3A_515 = arith.mulf %add3A_514, %div3A_475 : vector<16xf32>
      %swap3A_516 = arith.index_cast %scan3A_36 : i32 to index
      %swap3A_517 = arith.constant 16 : index
      %swap3A_518 = tpu.vector_load %arg12[%swap3A_516, %swap3A_517] {strides = array<i32>} : memref<128x128xf32, #tpu.memory_space<vmem>>, vector<1x16xf32>,
      %swap3A_519 = vector.shape_cast %swap3A_518 : vector<1x16xf32> to vector<16xf32>
      %swap3A_520 = vector.shape_cast %mul3A_515 : vector<16xf32> to vector<1x16xf32>
      tpu.vector_store %arg12[%swap3A_516, %swap3A_517], %swap3A_520 {strides = array<i32>} : memref<128x128xf32, #tpu.memory_space<vmem>>, vector<1x16xf32>,
      %get3A_521 = arith.index_cast %scan3A_36 : i32 to index
      %get3A_522 = arith.constant 32 : index
      %get3A_523 = tpu.vector_load %arg6[%get3A_521, %get3A_522] {strides = array<i32>} : memref<128x128xf32, #tpu.memory_space<vmem>>, vector<1x16xf32>,
      %get3A_524 = vector.shape_cast %get3A_523 : vector<1x16xf32> to vector<16xf32>
      %mul3A_525 = arith.mulf %div3A_176, %get3A_524 : vector<16xf32>
      %get3A_526 = arith.index_cast %scan3A_36 : i32 to index
      %get3A_527 = arith.constant 32 : index
      %get3A_528 = tpu.vector_load %arg7[%get3A_526, %get3A_527] {strides = array<i32>} : memref<128x128xf32, #tpu.memory_space<vmem>>, vector<1x16xf32>,
      %get3A_529 = vector.shape_cast %get3A_528 : vector<1x16xf32> to vector<16xf32>
      %mul3A_530 = arith.mulf %div3A_323, %get3A_529 : vector<16xf32>
      %add3A_531 = arith.addf %mul3A_525, %mul3A_530 : vector<16xf32>
      %get3A_532 = arith.index_cast %scan3A_36 : i32 to index
      %get3A_533 = arith.constant 32 : index
      %get3A_534 = tpu.vector_load %arg8[%get3A_532, %get3A_533] {strides = array<i32>} : memref<128x128xf32, #tpu.memory_space<vmem>>, vector<1x16xf32>,
      %get3A_535 = vector.shape_cast %get3A_534 : vector<1x16xf32> to vector<16xf32>
      %mul3A_536 = arith.mulf %div3A_470, %get3A_535 : vector<16xf32>
      %add3A_537 = arith.addf %add3A_531, %mul3A_536 : vector<16xf32>
      %mul3A_538 = arith.mulf %add3A_537, %div3A_475 : vector<16xf32>
      %swap3A_539 = arith.index_cast %scan3A_36 : i32 to index
      %swap3A_540 = arith.constant 32 : index
      %swap3A_541 = tpu.vector_load %arg12[%swap3A_539, %swap3A_540] {strides = array<i32>} : memref<128x128xf32, #tpu.memory_space<vmem>>, vector<1x16xf32>,
      %swap3A_542 = vector.shape_cast %swap3A_541 : vector<1x16xf32> to vector<16xf32>
      %swap3A_543 = vector.shape_cast %mul3A_538 : vector<16xf32> to vector<1x16xf32>
      tpu.vector_store %arg12[%swap3A_539, %swap3A_540], %swap3A_543 {strides = array<i32>} : memref<128x128xf32, #tpu.memory_space<vmem>>, vector<1x16xf32>,
      %get3A_544 = arith.index_cast %scan3A_36 : i32 to index
      %get3A_545 = arith.constant 48 : index
      %get3A_546 = tpu.vector_load %arg6[%get3A_544, %get3A_545] {strides = array<i32>} : memref<128x128xf32, #tpu.memory_space<vmem>>, vector<1x16xf32>,
      %get3A_547 = vector.shape_cast %get3A_546 : vector<1x16xf32> to vector<16xf32>
      %mul3A_548 = arith.mulf %div3A_176, %get3A_547 : vector<16xf32>
      %get3A_549 = arith.index_cast %scan3A_36 : i32 to index
      %get3A_550 = arith.constant 48 : index
      %get3A_551 = tpu.vector_load %arg7[%get3A_549, %get3A_550] {strides = array<i32>} : memref<128x128xf32, #tpu.memory_space<vmem>>, vector<1x16xf32>,
      %get3A_552 = vector.shape_cast %get3A_551 : vector<1x16xf32> to vector<16xf32>
      %mul3A_553 = arith.mulf %div3A_323, %get3A_552 : vector<16xf32>
      %add3A_554 = arith.addf %mul3A_548, %mul3A_553 : vector<16xf32>
      %get3A_555 = arith.index_cast %scan3A_36 : i32 to index
      %get3A_556 = arith.constant 48 : index
      %get3A_557 = tpu.vector_load %arg8[%get3A_555, %get3A_556] {strides = array<i32>} : memref<128x128xf32, #tpu.memory_space<vmem>>, vector<1x16xf32>,
      %get3A_558 = vector.shape_cast %get3A_557 : vector<1x16xf32> to vector<16xf32>
      %mul3A_559 = arith.mulf %div3A_470, %get3A_558 : vector<16xf32>
      %add3A_560 = arith.addf %add3A_554, %mul3A_559 : vector<16xf32>
      %mul3A_561 = arith.mulf %add3A_560, %div3A_475 : vector<16xf32>
      %swap3A_562 = arith.index_cast %scan3A_36 : i32 to index
      %swap3A_563 = arith.constant 48 : index
      %swap3A_564 = tpu.vector_load %arg12[%swap3A_562, %swap3A_563] {strides = array<i32>} : memref<128x128xf32, #tpu.memory_space<vmem>>, vector<1x16xf32>,
      %swap3A_565 = vector.shape_cast %swap3A_564 : vector<1x16xf32> to vector<16xf32>
      %swap3A_566 = vector.shape_cast %mul3A_561 : vector<16xf32> to vector<1x16xf32>
      tpu.vector_store %arg12[%swap3A_562, %swap3A_563], %swap3A_566 {strides = array<i32>} : memref<128x128xf32, #tpu.memory_space<vmem>>, vector<1x16xf32>,
      %get3A_567 = arith.index_cast %scan3A_36 : i32 to index
      %get3A_568 = arith.constant 64 : index
      %get3A_569 = tpu.vector_load %arg6[%get3A_567, %get3A_568] {strides = array<i32>} : memref<128x128xf32, #tpu.memory_space<vmem>>, vector<1x16xf32>,
      %get3A_570 = vector.shape_cast %get3A_569 : vector<1x16xf32> to vector<16xf32>
      %mul3A_571 = arith.mulf %div3A_176, %get3A_570 : vector<16xf32>
      %get3A_572 = arith.index_cast %scan3A_36 : i32 to index
      %get3A_573 = arith.constant 64 : index
      %get3A_574 = tpu.vector_load %arg7[%get3A_572, %get3A_573] {strides = array<i32>} : memref<128x128xf32, #tpu.memory_space<vmem>>, vector<1x16xf32>,
      %get3A_575 = vector.shape_cast %get3A_574 : vector<1x16xf32> to vector<16xf32>
      %mul3A_576 = arith.mulf %div3A_323, %get3A_575 : vector<16xf32>
      %add3A_577 = arith.addf %mul3A_571, %mul3A_576 : vector<16xf32>
      %get3A_578 = arith.index_cast %scan3A_36 : i32 to index
      %get3A_579 = arith.constant 64 : index
      %get3A_580 = tpu.vector_load %arg8[%get3A_578, %get3A_579] {strides = array<i32>} : memref<128x128xf32, #tpu.memory_space<vmem>>, vector<1x16xf32>,
      %get3A_581 = vector.shape_cast %get3A_580 : vector<1x16xf32> to vector<16xf32>
      %mul3A_582 = arith.mulf %div3A_470, %get3A_581 : vector<16xf32>
      %add3A_583 = arith.addf %add3A_577, %mul3A_582 : vector<16xf32>
      %mul3A_584 = arith.mulf %add3A_583, %div3A_475 : vector<16xf32>
      %swap3A_585 = arith.index_cast %scan3A_36 : i32 to index
      %swap3A_586 = arith.constant 64 : index
      %swap3A_587 = tpu.vector_load %arg12[%swap3A_585, %swap3A_586] {strides = array<i32>} : memref<128x128xf32, #tpu.memory_space<vmem>>, vector<1x16xf32>,
      %swap3A_588 = vector.shape_cast %swap3A_587 : vector<1x16xf32> to vector<16xf32>
      %swap3A_589 = vector.shape_cast %mul3A_584 : vector<16xf32> to vector<1x16xf32>
      tpu.vector_store %arg12[%swap3A_585, %swap3A_586], %swap3A_589 {strides = array<i32>} : memref<128x128xf32, #tpu.memory_space<vmem>>, vector<1x16xf32>,
      %get3A_590 = arith.index_cast %scan3A_36 : i32 to index
      %get3A_591 = arith.constant 80 : index
      %get3A_592 = tpu.vector_load %arg6[%get3A_590, %get3A_591] {strides = array<i32>} : memref<128x128xf32, #tpu.memory_space<vmem>>, vector<1x16xf32>,
      %get3A_593 = vector.shape_cast %get3A_592 : vector<1x16xf32> to vector<16xf32>
      %mul3A_594 = arith.mulf %div3A_176, %get3A_593 : vector<16xf32>
      %get3A_595 = arith.index_cast %scan3A_36 : i32 to index
      %get3A_596 = arith.constant 80 : index
      %get3A_597 = tpu.vector_load %arg7[%get3A_595, %get3A_596] {strides = array<i32>} : memref<128x128xf32, #tpu.memory_space<vmem>>, vector<1x16xf32>,
      %get3A_598 = vector.shape_cast %get3A_597 : vector<1x16xf32> to vector<16xf32>
      %mul3A_599 = arith.mulf %div3A_323, %get3A_598 : vector<16xf32>
      %add3A_600 = arith.addf %mul3A_594, %mul3A_599 : vector<16xf32>
      %get3A_601 = arith.index_cast %scan3A_36 : i32 to index
      %get3A_602 = arith.constant 80 : index
      %get3A_603 = tpu.vector_load %arg8[%get3A_601, %get3A_602] {strides = array<i32>} : memref<128x128xf32, #tpu.memory_space<vmem>>, vector<1x16xf32>,
      %get3A_604 = vector.shape_cast %get3A_603 : vector<1x16xf32> to vector<16xf32>
      %mul3A_605 = arith.mulf %div3A_470, %get3A_604 : vector<16xf32>
      %add3A_606 = arith.addf %add3A_600, %mul3A_605 : vector<16xf32>
      %mul3A_607 = arith.mulf %add3A_606, %div3A_475 : vector<16xf32>
      %swap3A_608 = arith.index_cast %scan3A_36 : i32 to index
      %swap3A_609 = arith.constant 80 : index
      %swap3A_610 = tpu.vector_load %arg12[%swap3A_608, %swap3A_609] {strides = array<i32>} : memref<128x128xf32, #tpu.memory_space<vmem>>, vector<1x16xf32>,
      %swap3A_611 = vector.shape_cast %swap3A_610 : vector<1x16xf32> to vector<16xf32>
      %swap3A_612 = vector.shape_cast %mul3A_607 : vector<16xf32> to vector<1x16xf32>
      tpu.vector_store %arg12[%swap3A_608, %swap3A_609], %swap3A_612 {strides = array<i32>} : memref<128x128xf32, #tpu.memory_space<vmem>>, vector<1x16xf32>,
      %get3A_613 = arith.index_cast %scan3A_36 : i32 to index
      %get3A_614 = arith.constant 96 : index
      %get3A_615 = tpu.vector_load %arg6[%get3A_613, %get3A_614] {strides = array<i32>} : memref<128x128xf32, #tpu.memory_space<vmem>>, vector<1x16xf32>,
      %get3A_616 = vector.shape_cast %get3A_615 : vector<1x16xf32> to vector<16xf32>
      %mul3A_617 = arith.mulf %div3A_176, %get3A_616 : vector<16xf32>
      %get3A_618 = arith.index_cast %scan3A_36 : i32 to index
      %get3A_619 = arith.constant 96 : index
      %get3A_620 = tpu.vector_load %arg7[%get3A_618, %get3A_619] {strides = array<i32>} : memref<128x128xf32, #tpu.memory_space<vmem>>, vector<1x16xf32>,
      %get3A_621 = vector.shape_cast %get3A_620 : vector<1x16xf32> to vector<16xf32>
      %mul3A_622 = arith.mulf %div3A_323, %get3A_621 : vector<16xf32>
      %add3A_623 = arith.addf %mul3A_617, %mul3A_622 : vector<16xf32>
      %get3A_624 = arith.index_cast %scan3A_36 : i32 to index
      %get3A_625 = arith.constant 96 : index
      %get3A_626 = tpu.vector_load %arg8[%get3A_624, %get3A_625] {strides = array<i32>} : memref<128x128xf32, #tpu.memory_space<vmem>>, vector<1x16xf32>,
      %get3A_627 = vector.shape_cast %get3A_626 : vector<1x16xf32> to vector<16xf32>
      %mul3A_628 = arith.mulf %div3A_470, %get3A_627 : vector<16xf32>
      %add3A_629 = arith.addf %add3A_623, %mul3A_628 : vector<16xf32>
      %mul3A_630 = arith.mulf %add3A_629, %div3A_475 : vector<16xf32>
      %swap3A_631 = arith.index_cast %scan3A_36 : i32 to index
      %swap3A_632 = arith.constant 96 : index
      %swap3A_633 = tpu.vector_load %arg12[%swap3A_631, %swap3A_632] {strides = array<i32>} : memref<128x128xf32, #tpu.memory_space<vmem>>, vector<1x16xf32>,
      %swap3A_634 = vector.shape_cast %swap3A_633 : vector<1x16xf32> to vector<16xf32>
      %swap3A_635 = vector.shape_cast %mul3A_630 : vector<16xf32> to vector<1x16xf32>
      tpu.vector_store %arg12[%swap3A_631, %swap3A_632], %swap3A_635 {strides = array<i32>} : memref<128x128xf32, #tpu.memory_space<vmem>>, vector<1x16xf32>,
      %get3A_636 = arith.index_cast %scan3A_36 : i32 to index
      %get3A_637 = arith.constant 112 : index
      %get3A_638 = tpu.vector_load %arg6[%get3A_636, %get3A_637] {strides = array<i32>} : memref<128x128xf32, #tpu.memory_space<vmem>>, vector<1x16xf32>,
      %get3A_639 = vector.shape_cast %get3A_638 : vector<1x16xf32> to vector<16xf32>
      %mul3A_640 = arith.mulf %div3A_176, %get3A_639 : vector<16xf32>
      %get3A_641 = arith.index_cast %scan3A_36 : i32 to index
      %get3A_642 = arith.constant 112 : index
      %get3A_643 = tpu.vector_load %arg7[%get3A_641, %get3A_642] {strides = array<i32>} : memref<128x128xf32, #tpu.memory_space<vmem>>, vector<1x16xf32>,
      %get3A_644 = vector.shape_cast %get3A_643 : vector<1x16xf32> to vector<16xf32>
      %mul3A_645 = arith.mulf %div3A_323, %get3A_644 : vector<16xf32>
      %add3A_646 = arith.addf %mul3A_640, %mul3A_645 : vector<16xf32>
      %get3A_647 = arith.index_cast %scan3A_36 : i32 to index
      %get3A_648 = arith.constant 112 : index
      %get3A_649 = tpu.vector_load %arg8[%get3A_647, %get3A_648] {strides = array<i32>} : memref<128x128xf32, #tpu.memory_space<vmem>>, vector<1x16xf32>,
      %get3A_650 = vector.shape_cast %get3A_649 : vector<1x16xf32> to vector<16xf32>
      %mul3A_651 = arith.mulf %div3A_470, %get3A_650 : vector<16xf32>
      %add3A_652 = arith.addf %add3A_646, %mul3A_651 : vector<16xf32>
      %mul3A_653 = arith.mulf %add3A_652, %div3A_475 : vector<16xf32>
      %swap3A_654 = arith.index_cast %scan3A_36 : i32 to index
      %swap3A_655 = arith.constant 112 : index
      %swap3A_656 = tpu.vector_load %arg12[%swap3A_654, %swap3A_655] {strides = array<i32>} : memref<128x128xf32, #tpu.memory_space<vmem>>, vector<1x16xf32>,
      %swap3A_657 = vector.shape_cast %swap3A_656 : vector<1x16xf32> to vector<16xf32>
      %swap3A_658 = vector.shape_cast %mul3A_653 : vector<16xf32> to vector<1x16xf32>
      tpu.vector_store %arg12[%swap3A_654, %swap3A_655], %swap3A_658 {strides = array<i32>} : memref<128x128xf32, #tpu.memory_space<vmem>>, vector<1x16xf32>,
      %scan3A_659 = arith.constant 1 : i32
      %scan3A_660 = arith.addi %scan3A_36, %scan3A_659 : i32
      %broadcast_in_dim3A_661 = arith.constant 0.000000e+00 : f32
      %broadcast_in_dim3A_662 = vector.broadcast %broadcast_in_dim3A_661 : f32 to vector<16xf32>
      %broadcast_in_dim3A_663 = arith.constant 0.000000e+00 : f32
      %broadcast_in_dim3A_664 = vector.broadcast %broadcast_in_dim3A_663 : f32 to vector<16xf32>
      %get3A_665 = arith.index_cast %scan3A_660 : i32 to index
      %get3A_666 = arith.constant 0 : index
      %get3A_667 = tpu.vector_load %arg6[%get3A_665, %get3A_666] {strides = array<i32>} : memref<128x128xf32, #tpu.memory_space<vmem>>, vector<1x16xf32>,
      %get3A_668 = vector.shape_cast %get3A_667 : vector<1x16xf32> to vector<16xf32>
      %get3A_669 = arith.index_cast %scan3A_660 : i32 to index
      %get3A_670 = arith.constant 0 : index
      %get3A_671 = tpu.vector_load %arg5[%get3A_669, %get3A_670] {strides = array<i32>} : memref<128x128xf32, #tpu.memory_space<vmem>>, vector<1x16xf32>,
      %get3A_672 = vector.shape_cast %get3A_671 : vector<1x16xf32> to vector<16xf32>
      %sub3A_673 = arith.subf %get3A_668, %get3A_672 : vector<16xf32>
      %get3A_674 = arith.index_cast %scan3A_660 : i32 to index
      %get3A_675 = arith.constant 16 : index
      %get3A_676 = tpu.vector_load %arg6[%get3A_674, %get3A_675] {strides = array<i32>} : memref<128x128xf32, #tpu.memory_space<vmem>>, vector<1x16xf32>,
      %get3A_677 = vector.shape_cast %get3A_676 : vector<1x16xf32> to vector<16xf32>
      %get3A_678 = arith.index_cast %scan3A_660 : i32 to index
      %get3A_679 = arith.constant 16 : index
      %get3A_680 = tpu.vector_load %arg5[%get3A_678, %get3A_679] {strides = array<i32>} : memref<128x128xf32, #tpu.memory_space<vmem>>, vector<1x16xf32>,
      %get3A_681 = vector.shape_cast %get3A_680 : vector<1x16xf32> to vector<16xf32>
      %sub3A_682 = arith.subf %get3A_677, %get3A_681 : vector<16xf32>
      %mul3A_683 = arith.mulf %sub3A_673, %sub3A_673 : vector<16xf32>
      %add3A_684 = arith.addf %broadcast_in_dim3A_662, %mul3A_683 : vector<16xf32>
      %mul3A_685 = arith.mulf %sub3A_682, %sub3A_682 : vector<16xf32>
      %add3A_686 = arith.addf %broadcast_in_dim3A_664, %mul3A_685 : vector<16xf32>
      %get3A_687 = arith.index_cast %scan3A_660 : i32 to index
      %get3A_688 = arith.constant 32 : index
      %get3A_689 = tpu.vector_load %arg6[%get3A_687, %get3A_688] {strides = array<i32>} : memref<128x128xf32, #tpu.memory_space<vmem>>, vector<1x16xf32>,
      %get3A_690 = vector.shape_cast %get3A_689 : vector<1x16xf32> to vector<16xf32>
      %get3A_691 = arith.index_cast %scan3A_660 : i32 to index
      %get3A_692 = arith.constant 32 : index
      %get3A_693 = tpu.vector_load %arg5[%get3A_691, %get3A_692] {strides = array<i32>} : memref<128x128xf32, #tpu.memory_space<vmem>>, vector<1x16xf32>,
      %get3A_694 = vector.shape_cast %get3A_693 : vector<1x16xf32> to vector<16xf32>
      %sub3A_695 = arith.subf %get3A_690, %get3A_694 : vector<16xf32>
      %get3A_696 = arith.index_cast %scan3A_660 : i32 to index
      %get3A_697 = arith.constant 48 : index
      %get3A_698 = tpu.vector_load %arg6[%get3A_696, %get3A_697] {strides = array<i32>} : memref<128x128xf32, #tpu.memory_space<vmem>>, vector<1x16xf32>,
      %get3A_699 = vector.shape_cast %get3A_698 : vector<1x16xf32> to vector<16xf32>
      %get3A_700 = arith.index_cast %scan3A_660 : i32 to index
      %get3A_701 = arith.constant 48 : index
      %get3A_702 = tpu.vector_load %arg5[%get3A_700, %get3A_701] {strides = array<i32>} : memref<128x128xf32, #tpu.memory_space<vmem>>, vector<1x16xf32>,
      %get3A_703 = vector.shape_cast %get3A_702 : vector<1x16xf32> to vector<16xf32>
      %sub3A_704 = arith.subf %get3A_699, %get3A_703 : vector<16xf32>
      %mul3A_705 = arith.mulf %sub3A_695, %sub3A_695 : vector<16xf32>
      %add3A_706 = arith.addf %add3A_684, %mul3A_705 : vector<16xf32>
      %mul3A_707 = arith.mulf %sub3A_704, %sub3A_704 : vector<16xf32>
      %add3A_708 = arith.addf %add3A_686, %mul3A_707 : vector<16xf32>
      %get3A_709 = arith.index_cast %scan3A_660 : i32 to index
      %get3A_710 = arith.constant 64 : index
      %get3A_711 = tpu.vector_load %arg6[%get3A_709, %get3A_710] {strides = array<i32>} : memref<128x128xf32, #tpu.memory_space<vmem>>, vector<1x16xf32>,
      %get3A_712 = vector.shape_cast %get3A_711 : vector<1x16xf32> to vector<16xf32>
      %get3A_713 = arith.index_cast %scan3A_660 : i32 to index
      %get3A_714 = arith.constant 64 : index
      %get3A_715 = tpu.vector_load %arg5[%get3A_713, %get3A_714] {strides = array<i32>} : memref<128x128xf32, #tpu.memory_space<vmem>>, vector<1x16xf32>,
      %get3A_716 = vector.shape_cast %get3A_715 : vector<1x16xf32> to vector<16xf32>
      %sub3A_717 = arith.subf %get3A_712, %get3A_716 : vector<16xf32>
      %get3A_718 = arith.index_cast %scan3A_660 : i32 to index
      %get3A_719 = arith.constant 80 : index
      %get3A_720 = tpu.vector_load %arg6[%get3A_718, %get3A_719] {strides = array<i32>} : memref<128x128xf32, #tpu.memory_space<vmem>>, vector<1x16xf32>,
      %get3A_721 = vector.shape_cast %get3A_720 : vector<1x16xf32> to vector<16xf32>
      %get3A_722 = arith.index_cast %scan3A_660 : i32 to index
      %get3A_723 = arith.constant 80 : index
      %get3A_724 = tpu.vector_load %arg5[%get3A_722, %get3A_723] {strides = array<i32>} : memref<128x128xf32, #tpu.memory_space<vmem>>, vector<1x16xf32>,
      %get3A_725 = vector.shape_cast %get3A_724 : vector<1x16xf32> to vector<16xf32>
      %sub3A_726 = arith.subf %get3A_721, %get3A_725 : vector<16xf32>
      %mul3A_727 = arith.mulf %sub3A_717, %sub3A_717 : vector<16xf32>
      %add3A_728 = arith.addf %add3A_706, %mul3A_727 : vector<16xf32>
      %mul3A_729 = arith.mulf %sub3A_726, %sub3A_726 : vector<16xf32>
      %add3A_730 = arith.addf %add3A_708, %mul3A_729 : vector<16xf32>
      %get3A_731 = arith.index_cast %scan3A_660 : i32 to index
      %get3A_732 = arith.constant 96 : index
      %get3A_733 = tpu.vector_load %arg6[%get3A_731, %get3A_732] {strides = array<i32>} : memref<128x128xf32, #tpu.memory_space<vmem>>, vector<1x16xf32>,
      %get3A_734 = vector.shape_cast %get3A_733 : vector<1x16xf32> to vector<16xf32>
      %get3A_735 = arith.index_cast %scan3A_660 : i32 to index
      %get3A_736 = arith.constant 96 : index
      %get3A_737 = tpu.vector_load %arg5[%get3A_735, %get3A_736] {strides = array<i32>} : memref<128x128xf32, #tpu.memory_space<vmem>>, vector<1x16xf32>,
      %get3A_738 = vector.shape_cast %get3A_737 : vector<1x16xf32> to vector<16xf32>
      %sub3A_739 = arith.subf %get3A_734, %get3A_738 : vector<16xf32>
      %get3A_740 = arith.index_cast %scan3A_660 : i32 to index
      %get3A_741 = arith.constant 112 : index
      %get3A_742 = tpu.vector_load %arg6[%get3A_740, %get3A_741] {strides = array<i32>} : memref<128x128xf32, #tpu.memory_space<vmem>>, vector<1x16xf32>,
      %get3A_743 = vector.shape_cast %get3A_742 : vector<1x16xf32> to vector<16xf32>
      %get3A_744 = arith.index_cast %scan3A_660 : i32 to index
      %get3A_745 = arith.constant 112 : index
      %get3A_746 = tpu.vector_load %arg5[%get3A_744, %get3A_745] {strides = array<i32>} : memref<128x128xf32, #tpu.memory_space<vmem>>, vector<1x16xf32>,
      %get3A_747 = vector.shape_cast %get3A_746 : vector<1x16xf32> to vector<16xf32>
      %sub3A_748 = arith.subf %get3A_743, %get3A_747 : vector<16xf32>
      %mul3A_749 = arith.mulf %sub3A_739, %sub3A_739 : vector<16xf32>
      %add3A_750 = arith.addf %add3A_728, %mul3A_749 : vector<16xf32>
      %mul3A_751 = arith.mulf %sub3A_748, %sub3A_748 : vector<16xf32>
      %add3A_752 = arith.addf %add3A_730, %mul3A_751 : vector<16xf32>
      %add3A_753 = arith.addf %add3A_750, %add3A_752 : vector<16xf32>
      %slice3A_754 = vector.extract_strided_slice %add3A_753 {offsets = [0], sizes = [1], strides = [1]} : vector<16xf32> to vector<1xf32>
      %squeeze3A_755 = vector.extract %slice3A_754[0] : f32 from vector<1xf32>
      %slice3A_756 = vector.extract_strided_slice %add3A_753 {offsets = [1], sizes = [1], strides = [1]} : vector<16xf32> to vector<1xf32>
      %squeeze3A_757 = vector.extract %slice3A_756[0] : f32 from vector<1xf32>
      %slice3A_758 = vector.extract_strided_slice %add3A_753 {offsets = [2], sizes = [1], strides = [1]} : vector<16xf32> to vector<1xf32>
      %squeeze3A_759 = vector.extract %slice3A_758[0] : f32 from vector<1xf32>
      %slice3A_760 = vector.extract_strided_slice %add3A_753 {offsets = [3], sizes = [1], strides = [1]} : vector<16xf32> to vector<1xf32>
      %squeeze3A_761 = vector.extract %slice3A_760[0] : f32 from vector<1xf32>
      %slice3A_762 = vector.extract_strided_slice %add3A_753 {offsets = [4], sizes = [1], strides = [1]} : vector<16xf32> to vector<1xf32>
      %squeeze3A_763 = vector.extract %slice3A_762[0] : f32 from vector<1xf32>
      %slice3A_764 = vector.extract_strided_slice %add3A_753 {offsets = [5], sizes = [1], strides = [1]} : vector<16xf32> to vector<1xf32>
      %squeeze3A_765 = vector.extract %slice3A_764[0] : f32 from vector<1xf32>
      %slice3A_766 = vector.extract_strided_slice %add3A_753 {offsets = [6], sizes = [1], strides = [1]} : vector<16xf32> to vector<1xf32>
      %squeeze3A_767 = vector.extract %slice3A_766[0] : f32 from vector<1xf32>
      %slice3A_768 = vector.extract_strided_slice %add3A_753 {offsets = [7], sizes = [1], strides = [1]} : vector<16xf32> to vector<1xf32>
      %squeeze3A_769 = vector.extract %slice3A_768[0] : f32 from vector<1xf32>
      %slice3A_770 = vector.extract_strided_slice %add3A_753 {offsets = [8], sizes = [1], strides = [1]} : vector<16xf32> to vector<1xf32>
      %squeeze3A_771 = vector.extract %slice3A_770[0] : f32 from vector<1xf32>
      %slice3A_772 = vector.extract_strided_slice %add3A_753 {offsets = [9], sizes = [1], strides = [1]} : vector<16xf32> to vector<1xf32>
      %squeeze3A_773 = vector.extract %slice3A_772[0] : f32 from vector<1xf32>
      %slice3A_774 = vector.extract_strided_slice %add3A_753 {offsets = [10], sizes = [1], strides = [1]} : vector<16xf32> to vector<1xf32>
      %squeeze3A_775 = vector.extract %slice3A_774[0] : f32 from vector<1xf32>
      %slice3A_776 = vector.extract_strided_slice %add3A_753 {offsets = [11], sizes = [1], strides = [1]} : vector<16xf32> to vector<1xf32>
      %squeeze3A_777 = vector.extract %slice3A_776[0] : f32 from vector<1xf32>
      %slice3A_778 = vector.extract_strided_slice %add3A_753 {offsets = [12], sizes = [1], strides = [1]} : vector<16xf32> to vector<1xf32>
      %squeeze3A_779 = vector.extract %slice3A_778[0] : f32 from vector<1xf32>
      %slice3A_780 = vector.extract_strided_slice %add3A_753 {offsets = [13], sizes = [1], strides = [1]} : vector<16xf32> to vector<1xf32>
      %squeeze3A_781 = vector.extract %slice3A_780[0] : f32 from vector<1xf32>
      %slice3A_782 = vector.extract_strided_slice %add3A_753 {offsets = [14], sizes = [1], strides = [1]} : vector<16xf32> to vector<1xf32>
      %squeeze3A_783 = vector.extract %slice3A_782[0] : f32 from vector<1xf32>
      %slice3A_784 = vector.extract_strided_slice %add3A_753 {offsets = [15], sizes = [1], strides = [1]} : vector<16xf32> to vector<1xf32>
      %squeeze3A_785 = vector.extract %slice3A_784[0] : f32 from vector<1xf32>
      %add3A_786 = arith.addf %squeeze3A_755, %squeeze3A_757 : f32
      %add3A_787 = arith.addf %squeeze3A_759, %squeeze3A_761 : f32
      %add3A_788 = arith.addf %squeeze3A_763, %squeeze3A_765 : f32
      %add3A_789 = arith.addf %squeeze3A_767, %squeeze3A_769 : f32
      %add3A_790 = arith.addf %squeeze3A_771, %squeeze3A_773 : f32
      %add3A_791 = arith.addf %squeeze3A_775, %squeeze3A_777 : f32
      %add3A_792 = arith.addf %squeeze3A_779, %squeeze3A_781 : f32
      %add3A_793 = arith.addf %squeeze3A_783, %squeeze3A_785 : f32
      %add3A_794 = arith.addf %add3A_786, %add3A_787 : f32
      %add3A_795 = arith.addf %add3A_788, %add3A_789 : f32
      %add3A_796 = arith.addf %add3A_790, %add3A_791 : f32
      %add3A_797 = arith.addf %add3A_792, %add3A_793 : f32
      %add3A_798 = arith.addf %add3A_794, %add3A_795 : f32
      %add3A_799 = arith.addf %add3A_796, %add3A_797 : f32
      %add3A_800 = arith.addf %add3A_798, %add3A_799 : f32
      %broadcast_in_dim3A_801 = vector.broadcast %add3A_800 : f32 to vector<16xf32>
      %max3A_802 = arith.constant 1.000000e-16 : f32
      %max3A_803 = vector.broadcast %max3A_802 : f32 to vector<16xf32>
      %max3A_804 = arith.maximumf %broadcast_in_dim3A_801, %max3A_803 : vector<16xf32>
      %div3A_805 = arith.constant 1.000000e+00 : f32
      %div3A_806 = vector.broadcast %div3A_805 : f32 to vector<16xf32>
      %div3A_807 = arith.divf %div3A_806, %max3A_804 : vector<16xf32>
      %broadcast_in_dim3A_808 = arith.constant 0.000000e+00 : f32
      %broadcast_in_dim3A_809 = vector.broadcast %broadcast_in_dim3A_808 : f32 to vector<16xf32>
      %broadcast_in_dim3A_810 = arith.constant 0.000000e+00 : f32
      %broadcast_in_dim3A_811 = vector.broadcast %broadcast_in_dim3A_810 : f32 to vector<16xf32>
      %get3A_812 = arith.index_cast %scan3A_660 : i32 to index
      %get3A_813 = arith.constant 0 : index
      %get3A_814 = tpu.vector_load %arg7[%get3A_812, %get3A_813] {strides = array<i32>} : memref<128x128xf32, #tpu.memory_space<vmem>>, vector<1x16xf32>,
      %get3A_815 = vector.shape_cast %get3A_814 : vector<1x16xf32> to vector<16xf32>
      %get3A_816 = arith.index_cast %scan3A_660 : i32 to index
      %get3A_817 = arith.constant 0 : index
      %get3A_818 = tpu.vector_load %arg5[%get3A_816, %get3A_817] {strides = array<i32>} : memref<128x128xf32, #tpu.memory_space<vmem>>, vector<1x16xf32>,
      %get3A_819 = vector.shape_cast %get3A_818 : vector<1x16xf32> to vector<16xf32>
      %sub3A_820 = arith.subf %get3A_815, %get3A_819 : vector<16xf32>
      %get3A_821 = arith.index_cast %scan3A_660 : i32 to index
      %get3A_822 = arith.constant 16 : index
      %get3A_823 = tpu.vector_load %arg7[%get3A_821, %get3A_822] {strides = array<i32>} : memref<128x128xf32, #tpu.memory_space<vmem>>, vector<1x16xf32>,
      %get3A_824 = vector.shape_cast %get3A_823 : vector<1x16xf32> to vector<16xf32>
      %get3A_825 = arith.index_cast %scan3A_660 : i32 to index
      %get3A_826 = arith.constant 16 : index
      %get3A_827 = tpu.vector_load %arg5[%get3A_825, %get3A_826] {strides = array<i32>} : memref<128x128xf32, #tpu.memory_space<vmem>>, vector<1x16xf32>,
      %get3A_828 = vector.shape_cast %get3A_827 : vector<1x16xf32> to vector<16xf32>
      %sub3A_829 = arith.subf %get3A_824, %get3A_828 : vector<16xf32>
      %mul3A_830 = arith.mulf %sub3A_820, %sub3A_820 : vector<16xf32>
      %add3A_831 = arith.addf %broadcast_in_dim3A_809, %mul3A_830 : vector<16xf32>
      %mul3A_832 = arith.mulf %sub3A_829, %sub3A_829 : vector<16xf32>
      %add3A_833 = arith.addf %broadcast_in_dim3A_811, %mul3A_832 : vector<16xf32>
      %get3A_834 = arith.index_cast %scan3A_660 : i32 to index
      %get3A_835 = arith.constant 32 : index
      %get3A_836 = tpu.vector_load %arg7[%get3A_834, %get3A_835] {strides = array<i32>} : memref<128x128xf32, #tpu.memory_space<vmem>>, vector<1x16xf32>,
      %get3A_837 = vector.shape_cast %get3A_836 : vector<1x16xf32> to vector<16xf32>
      %get3A_838 = arith.index_cast %scan3A_660 : i32 to index
      %get3A_839 = arith.constant 32 : index
      %get3A_840 = tpu.vector_load %arg5[%get3A_838, %get3A_839] {strides = array<i32>} : memref<128x128xf32, #tpu.memory_space<vmem>>, vector<1x16xf32>,
      %get3A_841 = vector.shape_cast %get3A_840 : vector<1x16xf32> to vector<16xf32>
      %sub3A_842 = arith.subf %get3A_837, %get3A_841 : vector<16xf32>
      %get3A_843 = arith.index_cast %scan3A_660 : i32 to index
      %get3A_844 = arith.constant 48 : index
      %get3A_845 = tpu.vector_load %arg7[%get3A_843, %get3A_844] {strides = array<i32>} : memref<128x128xf32, #tpu.memory_space<vmem>>, vector<1x16xf32>,
      %get3A_846 = vector.shape_cast %get3A_845 : vector<1x16xf32> to vector<16xf32>
      %get3A_847 = arith.index_cast %scan3A_660 : i32 to index
      %get3A_848 = arith.constant 48 : index
      %get3A_849 = tpu.vector_load %arg5[%get3A_847, %get3A_848] {strides = array<i32>} : memref<128x128xf32, #tpu.memory_space<vmem>>, vector<1x16xf32>,
      %get3A_850 = vector.shape_cast %get3A_849 : vector<1x16xf32> to vector<16xf32>
      %sub3A_851 = arith.subf %get3A_846, %get3A_850 : vector<16xf32>
      %mul3A_852 = arith.mulf %sub3A_842, %sub3A_842 : vector<16xf32>
      %add3A_853 = arith.addf %add3A_831, %mul3A_852 : vector<16xf32>
      %mul3A_854 = arith.mulf %sub3A_851, %sub3A_851 : vector<16xf32>
      %add3A_855 = arith.addf %add3A_833, %mul3A_854 : vector<16xf32>
      %get3A_856 = arith.index_cast %scan3A_660 : i32 to index
      %get3A_857 = arith.constant 64 : index
      %get3A_858 = tpu.vector_load %arg7[%get3A_856, %get3A_857] {strides = array<i32>} : memref<128x128xf32, #tpu.memory_space<vmem>>, vector<1x16xf32>,
      %get3A_859 = vector.shape_cast %get3A_858 : vector<1x16xf32> to vector<16xf32>
      %get3A_860 = arith.index_cast %scan3A_660 : i32 to index
      %get3A_861 = arith.constant 64 : index
      %get3A_862 = tpu.vector_load %arg5[%get3A_860, %get3A_861] {strides = array<i32>} : memref<128x128xf32, #tpu.memory_space<vmem>>, vector<1x16xf32>,
      %get3A_863 = vector.shape_cast %get3A_862 : vector<1x16xf32> to vector<16xf32>
      %sub3A_864 = arith.subf %get3A_859, %get3A_863 : vector<16xf32>
      %get3A_865 = arith.index_cast %scan3A_660 : i32 to index
      %get3A_866 = arith.constant 80 : index
      %get3A_867 = tpu.vector_load %arg7[%get3A_865, %get3A_866] {strides = array<i32>} : memref<128x128xf32, #tpu.memory_space<vmem>>, vector<1x16xf32>,
      %get3A_868 = vector.shape_cast %get3A_867 : vector<1x16xf32> to vector<16xf32>
      %get3A_869 = arith.index_cast %scan3A_660 : i32 to index
      %get3A_870 = arith.constant 80 : index
      %get3A_871 = tpu.vector_load %arg5[%get3A_869, %get3A_870] {strides = array<i32>} : memref<128x128xf32, #tpu.memory_space<vmem>>, vector<1x16xf32>,
      %get3A_872 = vector.shape_cast %get3A_871 : vector<1x16xf32> to vector<16xf32>
      %sub3A_873 = arith.subf %get3A_868, %get3A_872 : vector<16xf32>
      %mul3A_874 = arith.mulf %sub3A_864, %sub3A_864 : vector<16xf32>
      %add3A_875 = arith.addf %add3A_853, %mul3A_874 : vector<16xf32>
      %mul3A_876 = arith.mulf %sub3A_873, %sub3A_873 : vector<16xf32>
      %add3A_877 = arith.addf %add3A_855, %mul3A_876 : vector<16xf32>
      %get3A_878 = arith.index_cast %scan3A_660 : i32 to index
      %get3A_879 = arith.constant 96 : index
      %get3A_880 = tpu.vector_load %arg7[%get3A_878, %get3A_879] {strides = array<i32>} : memref<128x128xf32, #tpu.memory_space<vmem>>, vector<1x16xf32>,
      %get3A_881 = vector.shape_cast %get3A_880 : vector<1x16xf32> to vector<16xf32>
      %get3A_882 = arith.index_cast %scan3A_660 : i32 to index
      %get3A_883 = arith.constant 96 : index
      %get3A_884 = tpu.vector_load %arg5[%get3A_882, %get3A_883] {strides = array<i32>} : memref<128x128xf32, #tpu.memory_space<vmem>>, vector<1x16xf32>,
      %get3A_885 = vector.shape_cast %get3A_884 : vector<1x16xf32> to vector<16xf32>
      %sub3A_886 = arith.subf %get3A_881, %get3A_885 : vector<16xf32>
      %get3A_887 = arith.index_cast %scan3A_660 : i32 to index
      %get3A_888 = arith.constant 112 : index
      %get3A_889 = tpu.vector_load %arg7[%get3A_887, %get3A_888] {strides = array<i32>} : memref<128x128xf32, #tpu.memory_space<vmem>>, vector<1x16xf32>,
      %get3A_890 = vector.shape_cast %get3A_889 : vector<1x16xf32> to vector<16xf32>
      %get3A_891 = arith.index_cast %scan3A_660 : i32 to index
      %get3A_892 = arith.constant 112 : index
      %get3A_893 = tpu.vector_load %arg5[%get3A_891, %get3A_892] {strides = array<i32>} : memref<128x128xf32, #tpu.memory_space<vmem>>, vector<1x16xf32>,
      %get3A_894 = vector.shape_cast %get3A_893 : vector<1x16xf32> to vector<16xf32>
      %sub3A_895 = arith.subf %get3A_890, %get3A_894 : vector<16xf32>
      %mul3A_896 = arith.mulf %sub3A_886, %sub3A_886 : vector<16xf32>
      %add3A_897 = arith.addf %add3A_875, %mul3A_896 : vector<16xf32>
      %mul3A_898 = arith.mulf %sub3A_895, %sub3A_895 : vector<16xf32>
      %add3A_899 = arith.addf %add3A_877, %mul3A_898 : vector<16xf32>
      %add3A_900 = arith.addf %add3A_897, %add3A_899 : vector<16xf32>
      %slice3A_901 = vector.extract_strided_slice %add3A_900 {offsets = [0], sizes = [1], strides = [1]} : vector<16xf32> to vector<1xf32>
      %squeeze3A_902 = vector.extract %slice3A_901[0] : f32 from vector<1xf32>
      %slice3A_903 = vector.extract_strided_slice %add3A_900 {offsets = [1], sizes = [1], strides = [1]} : vector<16xf32> to vector<1xf32>
      %squeeze3A_904 = vector.extract %slice3A_903[0] : f32 from vector<1xf32>
      %slice3A_905 = vector.extract_strided_slice %add3A_900 {offsets = [2], sizes = [1], strides = [1]} : vector<16xf32> to vector<1xf32>
      %squeeze3A_906 = vector.extract %slice3A_905[0] : f32 from vector<1xf32>
      %slice3A_907 = vector.extract_strided_slice %add3A_900 {offsets = [3], sizes = [1], strides = [1]} : vector<16xf32> to vector<1xf32>
      %squeeze3A_908 = vector.extract %slice3A_907[0] : f32 from vector<1xf32>
      %slice3A_909 = vector.extract_strided_slice %add3A_900 {offsets = [4], sizes = [1], strides = [1]} : vector<16xf32> to vector<1xf32>
      %squeeze3A_910 = vector.extract %slice3A_909[0] : f32 from vector<1xf32>
      %slice3A_911 = vector.extract_strided_slice %add3A_900 {offsets = [5], sizes = [1], strides = [1]} : vector<16xf32> to vector<1xf32>
      %squeeze3A_912 = vector.extract %slice3A_911[0] : f32 from vector<1xf32>
      %slice3A_913 = vector.extract_strided_slice %add3A_900 {offsets = [6], sizes = [1], strides = [1]} : vector<16xf32> to vector<1xf32>
      %squeeze3A_914 = vector.extract %slice3A_913[0] : f32 from vector<1xf32>
      %slice3A_915 = vector.extract_strided_slice %add3A_900 {offsets = [7], sizes = [1], strides = [1]} : vector<16xf32> to vector<1xf32>
      %squeeze3A_916 = vector.extract %slice3A_915[0] : f32 from vector<1xf32>
      %slice3A_917 = vector.extract_strided_slice %add3A_900 {offsets = [8], sizes = [1], strides = [1]} : vector<16xf32> to vector<1xf32>
      %squeeze3A_918 = vector.extract %slice3A_917[0] : f32 from vector<1xf32>
      %slice3A_919 = vector.extract_strided_slice %add3A_900 {offsets = [9], sizes = [1], strides = [1]} : vector<16xf32> to vector<1xf32>
      %squeeze3A_920 = vector.extract %slice3A_919[0] : f32 from vector<1xf32>
      %slice3A_921 = vector.extract_strided_slice %add3A_900 {offsets = [10], sizes = [1], strides = [1]} : vector<16xf32> to vector<1xf32>
      %squeeze3A_922 = vector.extract %slice3A_921[0] : f32 from vector<1xf32>
      %slice3A_923 = vector.extract_strided_slice %add3A_900 {offsets = [11], sizes = [1], strides = [1]} : vector<16xf32> to vector<1xf32>
      %squeeze3A_924 = vector.extract %slice3A_923[0] : f32 from vector<1xf32>
      %slice3A_925 = vector.extract_strided_slice %add3A_900 {offsets = [12], sizes = [1], strides = [1]} : vector<16xf32> to vector<1xf32>
      %squeeze3A_926 = vector.extract %slice3A_925[0] : f32 from vector<1xf32>
      %slice3A_927 = vector.extract_strided_slice %add3A_900 {offsets = [13], sizes = [1], strides = [1]} : vector<16xf32> to vector<1xf32>
      %squeeze3A_928 = vector.extract %slice3A_927[0] : f32 from vector<1xf32>
      %slice3A_929 = vector.extract_strided_slice %add3A_900 {offsets = [14], sizes = [1], strides = [1]} : vector<16xf32> to vector<1xf32>
      %squeeze3A_930 = vector.extract %slice3A_929[0] : f32 from vector<1xf32>
      %slice3A_931 = vector.extract_strided_slice %add3A_900 {offsets = [15], sizes = [1], strides = [1]} : vector<16xf32> to vector<1xf32>
      %squeeze3A_932 = vector.extract %slice3A_931[0] : f32 from vector<1xf32>
      %add3A_933 = arith.addf %squeeze3A_902, %squeeze3A_904 : f32
      %add3A_934 = arith.addf %squeeze3A_906, %squeeze3A_908 : f32
      %add3A_935 = arith.addf %squeeze3A_910, %squeeze3A_912 : f32
      %add3A_936 = arith.addf %squeeze3A_914, %squeeze3A_916 : f32
      %add3A_937 = arith.addf %squeeze3A_918, %squeeze3A_920 : f32
      %add3A_938 = arith.addf %squeeze3A_922, %squeeze3A_924 : f32
      %add3A_939 = arith.addf %squeeze3A_926, %squeeze3A_928 : f32
      %add3A_940 = arith.addf %squeeze3A_930, %squeeze3A_932 : f32
      %add3A_941 = arith.addf %add3A_933, %add3A_934 : f32
      %add3A_942 = arith.addf %add3A_935, %add3A_936 : f32
      %add3A_943 = arith.addf %add3A_937, %add3A_938 : f32
      %add3A_944 = arith.addf %add3A_939, %add3A_940 : f32
      %add3A_945 = arith.addf %add3A_941, %add3A_942 : f32
      %add3A_946 = arith.addf %add3A_943, %add3A_944 : f32
      %add3A_947 = arith.addf %add3A_945, %add3A_946 : f32
      %broadcast_in_dim3A_948 = vector.broadcast %add3A_947 : f32 to vector<16xf32>
      %max3A_949 = arith.constant 1.000000e-16 : f32
      %max3A_950 = vector.broadcast %max3A_949 : f32 to vector<16xf32>
      %max3A_951 = arith.maximumf %broadcast_in_dim3A_948, %max3A_950 : vector<16xf32>
      %div3A_952 = arith.constant 1.000000e+00 : f32
      %div3A_953 = vector.broadcast %div3A_952 : f32 to vector<16xf32>
      %div3A_954 = arith.divf %div3A_953, %max3A_951 : vector<16xf32>
      %broadcast_in_dim3A_955 = arith.constant 0.000000e+00 : f32
      %broadcast_in_dim3A_956 = vector.broadcast %broadcast_in_dim3A_955 : f32 to vector<16xf32>
      %broadcast_in_dim3A_957 = arith.constant 0.000000e+00 : f32
      %broadcast_in_dim3A_958 = vector.broadcast %broadcast_in_dim3A_957 : f32 to vector<16xf32>
      %get3A_959 = arith.index_cast %scan3A_660 : i32 to index
      %get3A_960 = arith.constant 0 : index
      %get3A_961 = tpu.vector_load %arg8[%get3A_959, %get3A_960] {strides = array<i32>} : memref<128x128xf32, #tpu.memory_space<vmem>>, vector<1x16xf32>,
      %get3A_962 = vector.shape_cast %get3A_961 : vector<1x16xf32> to vector<16xf32>
      %get3A_963 = arith.index_cast %scan3A_660 : i32 to index
      %get3A_964 = arith.constant 0 : index
      %get3A_965 = tpu.vector_load %arg5[%get3A_963, %get3A_964] {strides = array<i32>} : memref<128x128xf32, #tpu.memory_space<vmem>>, vector<1x16xf32>,
      %get3A_966 = vector.shape_cast %get3A_965 : vector<1x16xf32> to vector<16xf32>
      %sub3A_967 = arith.subf %get3A_962, %get3A_966 : vector<16xf32>
      %get3A_968 = arith.index_cast %scan3A_660 : i32 to index
      %get3A_969 = arith.constant 16 : index
      %get3A_970 = tpu.vector_load %arg8[%get3A_968, %get3A_969] {strides = array<i32>} : memref<128x128xf32, #tpu.memory_space<vmem>>, vector<1x16xf32>,
      %get3A_971 = vector.shape_cast %get3A_970 : vector<1x16xf32> to vector<16xf32>
      %get3A_972 = arith.index_cast %scan3A_660 : i32 to index
      %get3A_973 = arith.constant 16 : index
      %get3A_974 = tpu.vector_load %arg5[%get3A_972, %get3A_973] {strides = array<i32>} : memref<128x128xf32, #tpu.memory_space<vmem>>, vector<1x16xf32>,
      %get3A_975 = vector.shape_cast %get3A_974 : vector<1x16xf32> to vector<16xf32>
      %sub3A_976 = arith.subf %get3A_971, %get3A_975 : vector<16xf32>
      %mul3A_977 = arith.mulf %sub3A_967, %sub3A_967 : vector<16xf32>
      %add3A_978 = arith.addf %broadcast_in_dim3A_956, %mul3A_977 : vector<16xf32>
      %mul3A_979 = arith.mulf %sub3A_976, %sub3A_976 : vector<16xf32>
      %add3A_980 = arith.addf %broadcast_in_dim3A_958, %mul3A_979 : vector<16xf32>
      %get3A_981 = arith.index_cast %scan3A_660 : i32 to index
      %get3A_982 = arith.constant 32 : index
      %get3A_983 = tpu.vector_load %arg8[%get3A_981, %get3A_982] {strides = array<i32>} : memref<128x128xf32, #tpu.memory_space<vmem>>, vector<1x16xf32>,
      %get3A_984 = vector.shape_cast %get3A_983 : vector<1x16xf32> to vector<16xf32>
      %get3A_985 = arith.index_cast %scan3A_660 : i32 to index
      %get3A_986 = arith.constant 32 : index
      %get3A_987 = tpu.vector_load %arg5[%get3A_985, %get3A_986] {strides = array<i32>} : memref<128x128xf32, #tpu.memory_space<vmem>>, vector<1x16xf32>,
      %get3A_988 = vector.shape_cast %get3A_987 : vector<1x16xf32> to vector<16xf32>
      %sub3A_989 = arith.subf %get3A_984, %get3A_988 : vector<16xf32>
      %get3A_990 = arith.index_cast %scan3A_660 : i32 to index
      %get3A_991 = arith.constant 48 : index
      %get3A_992 = tpu.vector_load %arg8[%get3A_990, %get3A_991] {strides = array<i32>} : memref<128x128xf32, #tpu.memory_space<vmem>>, vector<1x16xf32>,
      %get3A_993 = vector.shape_cast %get3A_992 : vector<1x16xf32> to vector<16xf32>
      %get3A_994 = arith.index_cast %scan3A_660 : i32 to index
      %get3A_995 = arith.constant 48 : index
      %get3A_996 = tpu.vector_load %arg5[%get3A_994, %get3A_995] {strides = array<i32>} : memref<128x128xf32, #tpu.memory_space<vmem>>, vector<1x16xf32>,
      %get3A_997 = vector.shape_cast %get3A_996 : vector<1x16xf32> to vector<16xf32>
      %sub3A_998 = arith.subf %get3A_993, %get3A_997 : vector<16xf32>
      %mul3A_999 = arith.mulf %sub3A_989, %sub3A_989 : vector<16xf32>
      %add3A_1000 = arith.addf %add3A_978, %mul3A_999 : vector<16xf32>
      %mul3A_1001 = arith.mulf %sub3A_998, %sub3A_998 : vector<16xf32>
      %add3A_1002 = arith.addf %add3A_980, %mul3A_1001 : vector<16xf32>
      %get3A_1003 = arith.index_cast %scan3A_660 : i32 to index
      %get3A_1004 = arith.constant 64 : index
      %get3A_1005 = tpu.vector_load %arg8[%get3A_1003, %get3A_1004] {strides = array<i32>} : memref<128x128xf32, #tpu.memory_space<vmem>>, vector<1x16xf32>,
      %get3A_1006 = vector.shape_cast %get3A_1005 : vector<1x16xf32> to vector<16xf32>
      %get3A_1007 = arith.index_cast %scan3A_660 : i32 to index
      %get3A_1008 = arith.constant 64 : index
      %get3A_1009 = tpu.vector_load %arg5[%get3A_1007, %get3A_1008] {strides = array<i32>} : memref<128x128xf32, #tpu.memory_space<vmem>>, vector<1x16xf32>,
      %get3A_1010 = vector.shape_cast %get3A_1009 : vector<1x16xf32> to vector<16xf32>
      %sub3A_1011 = arith.subf %get3A_1006, %get3A_1010 : vector<16xf32>
      %get3A_1012 = arith.index_cast %scan3A_660 : i32 to index
      %get3A_1013 = arith.constant 80 : index
      %get3A_1014 = tpu.vector_load %arg8[%get3A_1012, %get3A_1013] {strides = array<i32>} : memref<128x128xf32, #tpu.memory_space<vmem>>, vector<1x16xf32>,
      %get3A_1015 = vector.shape_cast %get3A_1014 : vector<1x16xf32> to vector<16xf32>
      %get3A_1016 = arith.index_cast %scan3A_660 : i32 to index
      %get3A_1017 = arith.constant 80 : index
      %get3A_1018 = tpu.vector_load %arg5[%get3A_1016, %get3A_1017] {strides = array<i32>} : memref<128x128xf32, #tpu.memory_space<vmem>>, vector<1x16xf32>,
      %get3A_1019 = vector.shape_cast %get3A_1018 : vector<1x16xf32> to vector<16xf32>
      %sub3A_1020 = arith.subf %get3A_1015, %get3A_1019 : vector<16xf32>
      %mul3A_1021 = arith.mulf %sub3A_1011, %sub3A_1011 : vector<16xf32>
      %add3A_1022 = arith.addf %add3A_1000, %mul3A_1021 : vector<16xf32>
      %mul3A_1023 = arith.mulf %sub3A_1020, %sub3A_1020 : vector<16xf32>
      %add3A_1024 = arith.addf %add3A_1002, %mul3A_1023 : vector<16xf32>
      %get3A_1025 = arith.index_cast %scan3A_660 : i32 to index
      %get3A_1026 = arith.constant 96 : index
      %get3A_1027 = tpu.vector_load %arg8[%get3A_1025, %get3A_1026] {strides = array<i32>} : memref<128x128xf32, #tpu.memory_space<vmem>>, vector<1x16xf32>,
      %get3A_1028 = vector.shape_cast %get3A_1027 : vector<1x16xf32> to vector<16xf32>
      %get3A_1029 = arith.index_cast %scan3A_660 : i32 to index
      %get3A_1030 = arith.constant 96 : index
      %get3A_1031 = tpu.vector_load %arg5[%get3A_1029, %get3A_1030] {strides = array<i32>} : memref<128x128xf32, #tpu.memory_space<vmem>>, vector<1x16xf32>,
      %get3A_1032 = vector.shape_cast %get3A_1031 : vector<1x16xf32> to vector<16xf32>
      %sub3A_1033 = arith.subf %get3A_1028, %get3A_1032 : vector<16xf32>
      %get3A_1034 = arith.index_cast %scan3A_660 : i32 to index
      %get3A_1035 = arith.constant 112 : index
      %get3A_1036 = tpu.vector_load %arg8[%get3A_1034, %get3A_1035] {strides = array<i32>} : memref<128x128xf32, #tpu.memory_space<vmem>>, vector<1x16xf32>,
      %get3A_1037 = vector.shape_cast %get3A_1036 : vector<1x16xf32> to vector<16xf32>
      %get3A_1038 = arith.index_cast %scan3A_660 : i32 to index
      %get3A_1039 = arith.constant 112 : index
      %get3A_1040 = tpu.vector_load %arg5[%get3A_1038, %get3A_1039] {strides = array<i32>} : memref<128x128xf32, #tpu.memory_space<vmem>>, vector<1x16xf32>,
      %get3A_1041 = vector.shape_cast %get3A_1040 : vector<1x16xf32> to vector<16xf32>
      %sub3A_1042 = arith.subf %get3A_1037, %get3A_1041 : vector<16xf32>
      %mul3A_1043 = arith.mulf %sub3A_1033, %sub3A_1033 : vector<16xf32>
      %add3A_1044 = arith.addf %add3A_1022, %mul3A_1043 : vector<16xf32>
      %mul3A_1045 = arith.mulf %sub3A_1042, %sub3A_1042 : vector<16xf32>
      %add3A_1046 = arith.addf %add3A_1024, %mul3A_1045 : vector<16xf32>
      %add3A_1047 = arith.addf %add3A_1044, %add3A_1046 : vector<16xf32>
      %slice3A_1048 = vector.extract_strided_slice %add3A_1047 {offsets = [0], sizes = [1], strides = [1]} : vector<16xf32> to vector<1xf32>
      %squeeze3A_1049 = vector.extract %slice3A_1048[0] : f32 from vector<1xf32>
      %slice3A_1050 = vector.extract_strided_slice %add3A_1047 {offsets = [1], sizes = [1], strides = [1]} : vector<16xf32> to vector<1xf32>
      %squeeze3A_1051 = vector.extract %slice3A_1050[0] : f32 from vector<1xf32>
      %slice3A_1052 = vector.extract_strided_slice %add3A_1047 {offsets = [2], sizes = [1], strides = [1]} : vector<16xf32> to vector<1xf32>
      %squeeze3A_1053 = vector.extract %slice3A_1052[0] : f32 from vector<1xf32>
      %slice3A_1054 = vector.extract_strided_slice %add3A_1047 {offsets = [3], sizes = [1], strides = [1]} : vector<16xf32> to vector<1xf32>
      %squeeze3A_1055 = vector.extract %slice3A_1054[0] : f32 from vector<1xf32>
      %slice3A_1056 = vector.extract_strided_slice %add3A_1047 {offsets = [4], sizes = [1], strides = [1]} : vector<16xf32> to vector<1xf32>
      %squeeze3A_1057 = vector.extract %slice3A_1056[0] : f32 from vector<1xf32>
      %slice3A_1058 = vector.extract_strided_slice %add3A_1047 {offsets = [5], sizes = [1], strides = [1]} : vector<16xf32> to vector<1xf32>
      %squeeze3A_1059 = vector.extract %slice3A_1058[0] : f32 from vector<1xf32>
      %slice3A_1060 = vector.extract_strided_slice %add3A_1047 {offsets = [6], sizes = [1], strides = [1]} : vector<16xf32> to vector<1xf32>
      %squeeze3A_1061 = vector.extract %slice3A_1060[0] : f32 from vector<1xf32>
      %slice3A_1062 = vector.extract_strided_slice %add3A_1047 {offsets = [7], sizes = [1], strides = [1]} : vector<16xf32> to vector<1xf32>
      %squeeze3A_1063 = vector.extract %slice3A_1062[0] : f32 from vector<1xf32>
      %slice3A_1064 = vector.extract_strided_slice %add3A_1047 {offsets = [8], sizes = [1], strides = [1]} : vector<16xf32> to vector<1xf32>
      %squeeze3A_1065 = vector.extract %slice3A_1064[0] : f32 from vector<1xf32>
      %slice3A_1066 = vector.extract_strided_slice %add3A_1047 {offsets = [9], sizes = [1], strides = [1]} : vector<16xf32> to vector<1xf32>
      %squeeze3A_1067 = vector.extract %slice3A_1066[0] : f32 from vector<1xf32>
      %slice3A_1068 = vector.extract_strided_slice %add3A_1047 {offsets = [10], sizes = [1], strides = [1]} : vector<16xf32> to vector<1xf32>
      %squeeze3A_1069 = vector.extract %slice3A_1068[0] : f32 from vector<1xf32>
      %slice3A_1070 = vector.extract_strided_slice %add3A_1047 {offsets = [11], sizes = [1], strides = [1]} : vector<16xf32> to vector<1xf32>
      %squeeze3A_1071 = vector.extract %slice3A_1070[0] : f32 from vector<1xf32>
      %slice3A_1072 = vector.extract_strided_slice %add3A_1047 {offsets = [12], sizes = [1], strides = [1]} : vector<16xf32> to vector<1xf32>
      %squeeze3A_1073 = vector.extract %slice3A_1072[0] : f32 from vector<1xf32>
      %slice3A_1074 = vector.extract_strided_slice %add3A_1047 {offsets = [13], sizes = [1], strides = [1]} : vector<16xf32> to vector<1xf32>
      %squeeze3A_1075 = vector.extract %slice3A_1074[0] : f32 from vector<1xf32>
      %slice3A_1076 = vector.extract_strided_slice %add3A_1047 {offsets = [14], sizes = [1], strides = [1]} : vector<16xf32> to vector<1xf32>
      %squeeze3A_1077 = vector.extract %slice3A_1076[0] : f32 from vector<1xf32>
      %slice3A_1078 = vector.extract_strided_slice %add3A_1047 {offsets = [15], sizes = [1], strides = [1]} : vector<16xf32> to vector<1xf32>
      %squeeze3A_1079 = vector.extract %slice3A_1078[0] : f32 from vector<1xf32>
      %add3A_1080 = arith.addf %squeeze3A_1049, %squeeze3A_1051 : f32
      %add3A_1081 = arith.addf %squeeze3A_1053, %squeeze3A_1055 : f32
      %add3A_1082 = arith.addf %squeeze3A_1057, %squeeze3A_1059 : f32
      %add3A_1083 = arith.addf %squeeze3A_1061, %squeeze3A_1063 : f32
      %add3A_1084 = arith.addf %squeeze3A_1065, %squeeze3A_1067 : f32
      %add3A_1085 = arith.addf %squeeze3A_1069, %squeeze3A_1071 : f32
      %add3A_1086 = arith.addf %squeeze3A_1073, %squeeze3A_1075 : f32
      %add3A_1087 = arith.addf %squeeze3A_1077, %squeeze3A_1079 : f32
      %add3A_1088 = arith.addf %add3A_1080, %add3A_1081 : f32
      %add3A_1089 = arith.addf %add3A_1082, %add3A_1083 : f32
      %add3A_1090 = arith.addf %add3A_1084, %add3A_1085 : f32
      %add3A_1091 = arith.addf %add3A_1086, %add3A_1087 : f32
      %add3A_1092 = arith.addf %add3A_1088, %add3A_1089 : f32
      %add3A_1093 = arith.addf %add3A_1090, %add3A_1091 : f32
      %add3A_1094 = arith.addf %add3A_1092, %add3A_1093 : f32
      %broadcast_in_dim3A_1095 = vector.broadcast %add3A_1094 : f32 to vector<16xf32>
      %max3A_1096 = arith.constant 1.000000e-16 : f32
      %max3A_1097 = vector.broadcast %max3A_1096 : f32 to vector<16xf32>
      %max3A_1098 = arith.maximumf %broadcast_in_dim3A_1095, %max3A_1097 : vector<16xf32>
      %div3A_1099 = arith.constant 1.000000e+00 : f32
      %div3A_1100 = vector.broadcast %div3A_1099 : f32 to vector<16xf32>
      %div3A_1101 = arith.divf %div3A_1100, %max3A_1098 : vector<16xf32>
      %add3A_1102 = arith.addf %div3A_807, %div3A_954 : vector<16xf32>
      %add3A_1103 = arith.addf %add3A_1102, %div3A_1101 : vector<16xf32>
      %div3A_1104 = arith.constant 1.000000e+00 : f32
      %div3A_1105 = vector.broadcast %div3A_1104 : f32 to vector<16xf32>
      %div3A_1106 = arith.divf %div3A_1105, %add3A_1103 : vector<16xf32>
      %get3A_1107 = arith.index_cast %scan3A_660 : i32 to index
      %get3A_1108 = arith.constant 0 : index
      %get3A_1109 = tpu.vector_load %arg6[%get3A_1107, %get3A_1108] {strides = array<i32>} : memref<128x128xf32, #tpu.memory_space<vmem>>, vector<1x16xf32>,
      %get3A_1110 = vector.shape_cast %get3A_1109 : vector<1x16xf32> to vector<16xf32>
      %mul3A_1111 = arith.mulf %div3A_807, %get3A_1110 : vector<16xf32>
      %get3A_1112 = arith.index_cast %scan3A_660 : i32 to index
      %get3A_1113 = arith.constant 0 : index
      %get3A_1114 = tpu.vector_load %arg7[%get3A_1112, %get3A_1113] {strides = array<i32>} : memref<128x128xf32, #tpu.memory_space<vmem>>, vector<1x16xf32>,
      %get3A_1115 = vector.shape_cast %get3A_1114 : vector<1x16xf32> to vector<16xf32>
      %mul3A_1116 = arith.mulf %div3A_954, %get3A_1115 : vector<16xf32>
      %add3A_1117 = arith.addf %mul3A_1111, %mul3A_1116 : vector<16xf32>
      %get3A_1118 = arith.index_cast %scan3A_660 : i32 to index
      %get3A_1119 = arith.constant 0 : index
      %get3A_1120 = tpu.vector_load %arg8[%get3A_1118, %get3A_1119] {strides = array<i32>} : memref<128x128xf32, #tpu.memory_space<vmem>>, vector<1x16xf32>,
      %get3A_1121 = vector.shape_cast %get3A_1120 : vector<1x16xf32> to vector<16xf32>
      %mul3A_1122 = arith.mulf %div3A_1101, %get3A_1121 : vector<16xf32>
      %add3A_1123 = arith.addf %add3A_1117, %mul3A_1122 : vector<16xf32>
      %mul3A_1124 = arith.mulf %add3A_1123, %div3A_1106 : vector<16xf32>
      %swap3A_1125 = arith.index_cast %scan3A_660 : i32 to index
      %swap3A_1126 = arith.constant 0 : index
      %swap3A_1127 = tpu.vector_load %arg12[%swap3A_1125, %swap3A_1126] {strides = array<i32>} : memref<128x128xf32, #tpu.memory_space<vmem>>, vector<1x16xf32>,
      %swap3A_1128 = vector.shape_cast %swap3A_1127 : vector<1x16xf32> to vector<16xf32>
      %swap3A_1129 = vector.shape_cast %mul3A_1124 : vector<16xf32> to vector<1x16xf32>
      tpu.vector_store %arg12[%swap3A_1125, %swap3A_1126], %swap3A_1129 {strides = array<i32>} : memref<128x128xf32, #tpu.memory_space<vmem>>, vector<1x16xf32>,
      %get3A_1130 = arith.index_cast %scan3A_660 : i32 to index
      %get3A_1131 = arith.constant 16 : index
      %get3A_1132 = tpu.vector_load %arg6[%get3A_1130, %get3A_1131] {strides = array<i32>} : memref<128x128xf32, #tpu.memory_space<vmem>>, vector<1x16xf32>,
      %get3A_1133 = vector.shape_cast %get3A_1132 : vector<1x16xf32> to vector<16xf32>
      %mul3A_1134 = arith.mulf %div3A_807, %get3A_1133 : vector<16xf32>
      %get3A_1135 = arith.index_cast %scan3A_660 : i32 to index
      %get3A_1136 = arith.constant 16 : index
      %get3A_1137 = tpu.vector_load %arg7[%get3A_1135, %get3A_1136] {strides = array<i32>} : memref<128x128xf32, #tpu.memory_space<vmem>>, vector<1x16xf32>,
      %get3A_1138 = vector.shape_cast %get3A_1137 : vector<1x16xf32> to vector<16xf32>
      %mul3A_1139 = arith.mulf %div3A_954, %get3A_1138 : vector<16xf32>
      %add3A_1140 = arith.addf %mul3A_1134, %mul3A_1139 : vector<16xf32>
      %get3A_1141 = arith.index_cast %scan3A_660 : i32 to index
      %get3A_1142 = arith.constant 16 : index
      %get3A_1143 = tpu.vector_load %arg8[%get3A_1141, %get3A_1142] {strides = array<i32>} : memref<128x128xf32, #tpu.memory_space<vmem>>, vector<1x16xf32>,
      %get3A_1144 = vector.shape_cast %get3A_1143 : vector<1x16xf32> to vector<16xf32>
      %mul3A_1145 = arith.mulf %div3A_1101, %get3A_1144 : vector<16xf32>
      %add3A_1146 = arith.addf %add3A_1140, %mul3A_1145 : vector<16xf32>
      %mul3A_1147 = arith.mulf %add3A_1146, %div3A_1106 : vector<16xf32>
      %swap3A_1148 = arith.index_cast %scan3A_660 : i32 to index
      %swap3A_1149 = arith.constant 16 : index
      %swap3A_1150 = tpu.vector_load %arg12[%swap3A_1148, %swap3A_1149] {strides = array<i32>} : memref<128x128xf32, #tpu.memory_space<vmem>>, vector<1x16xf32>,
      %swap3A_1151 = vector.shape_cast %swap3A_1150 : vector<1x16xf32> to vector<16xf32>
      %swap3A_1152 = vector.shape_cast %mul3A_1147 : vector<16xf32> to vector<1x16xf32>
      tpu.vector_store %arg12[%swap3A_1148, %swap3A_1149], %swap3A_1152 {strides = array<i32>} : memref<128x128xf32, #tpu.memory_space<vmem>>, vector<1x16xf32>,
      %get3A_1153 = arith.index_cast %scan3A_660 : i32 to index
      %get3A_1154 = arith.constant 32 : index
      %get3A_1155 = tpu.vector_load %arg6[%get3A_1153, %get3A_1154] {strides = array<i32>} : memref<128x128xf32, #tpu.memory_space<vmem>>, vector<1x16xf32>,
      %get3A_1156 = vector.shape_cast %get3A_1155 : vector<1x16xf32> to vector<16xf32>
      %mul3A_1157 = arith.mulf %div3A_807, %get3A_1156 : vector<16xf32>
      %get3A_1158 = arith.index_cast %scan3A_660 : i32 to index
      %get3A_1159 = arith.constant 32 : index
      %get3A_1160 = tpu.vector_load %arg7[%get3A_1158, %get3A_1159] {strides = array<i32>} : memref<128x128xf32, #tpu.memory_space<vmem>>, vector<1x16xf32>,
      %get3A_1161 = vector.shape_cast %get3A_1160 : vector<1x16xf32> to vector<16xf32>
      %mul3A_1162 = arith.mulf %div3A_954, %get3A_1161 : vector<16xf32>
      %add3A_1163 = arith.addf %mul3A_1157, %mul3A_1162 : vector<16xf32>
      %get3A_1164 = arith.index_cast %scan3A_660 : i32 to index
      %get3A_1165 = arith.constant 32 : index
      %get3A_1166 = tpu.vector_load %arg8[%get3A_1164, %get3A_1165] {strides = array<i32>} : memref<128x128xf32, #tpu.memory_space<vmem>>, vector<1x16xf32>,
      %get3A_1167 = vector.shape_cast %get3A_1166 : vector<1x16xf32> to vector<16xf32>
      %mul3A_1168 = arith.mulf %div3A_1101, %get3A_1167 : vector<16xf32>
      %add3A_1169 = arith.addf %add3A_1163, %mul3A_1168 : vector<16xf32>
      %mul3A_1170 = arith.mulf %add3A_1169, %div3A_1106 : vector<16xf32>
      %swap3A_1171 = arith.index_cast %scan3A_660 : i32 to index
      %swap3A_1172 = arith.constant 32 : index
      %swap3A_1173 = tpu.vector_load %arg12[%swap3A_1171, %swap3A_1172] {strides = array<i32>} : memref<128x128xf32, #tpu.memory_space<vmem>>, vector<1x16xf32>,
      %swap3A_1174 = vector.shape_cast %swap3A_1173 : vector<1x16xf32> to vector<16xf32>
      %swap3A_1175 = vector.shape_cast %mul3A_1170 : vector<16xf32> to vector<1x16xf32>
      tpu.vector_store %arg12[%swap3A_1171, %swap3A_1172], %swap3A_1175 {strides = array<i32>} : memref<128x128xf32, #tpu.memory_space<vmem>>, vector<1x16xf32>,
      %get3A_1176 = arith.index_cast %scan3A_660 : i32 to index
      %get3A_1177 = arith.constant 48 : index
      %get3A_1178 = tpu.vector_load %arg6[%get3A_1176, %get3A_1177] {strides = array<i32>} : memref<128x128xf32, #tpu.memory_space<vmem>>, vector<1x16xf32>,
      %get3A_1179 = vector.shape_cast %get3A_1178 : vector<1x16xf32> to vector<16xf32>
      %mul3A_1180 = arith.mulf %div3A_807, %get3A_1179 : vector<16xf32>
      %get3A_1181 = arith.index_cast %scan3A_660 : i32 to index
      %get3A_1182 = arith.constant 48 : index
      %get3A_1183 = tpu.vector_load %arg7[%get3A_1181, %get3A_1182] {strides = array<i32>} : memref<128x128xf32, #tpu.memory_space<vmem>>, vector<1x16xf32>,
      %get3A_1184 = vector.shape_cast %get3A_1183 : vector<1x16xf32> to vector<16xf32>
      %mul3A_1185 = arith.mulf %div3A_954, %get3A_1184 : vector<16xf32>
      %add3A_1186 = arith.addf %mul3A_1180, %mul3A_1185 : vector<16xf32>
      %get3A_1187 = arith.index_cast %scan3A_660 : i32 to index
      %get3A_1188 = arith.constant 48 : index
      %get3A_1189 = tpu.vector_load %arg8[%get3A_1187, %get3A_1188] {strides = array<i32>} : memref<128x128xf32, #tpu.memory_space<vmem>>, vector<1x16xf32>,
      %get3A_1190 = vector.shape_cast %get3A_1189 : vector<1x16xf32> to vector<16xf32>
      %mul3A_1191 = arith.mulf %div3A_1101, %get3A_1190 : vector<16xf32>
      %add3A_1192 = arith.addf %add3A_1186, %mul3A_1191 : vector<16xf32>
      %mul3A_1193 = arith.mulf %add3A_1192, %div3A_1106 : vector<16xf32>
      %swap3A_1194 = arith.index_cast %scan3A_660 : i32 to index
      %swap3A_1195 = arith.constant 48 : index
      %swap3A_1196 = tpu.vector_load %arg12[%swap3A_1194, %swap3A_1195] {strides = array<i32>} : memref<128x128xf32, #tpu.memory_space<vmem>>, vector<1x16xf32>,
      %swap3A_1197 = vector.shape_cast %swap3A_1196 : vector<1x16xf32> to vector<16xf32>
      %swap3A_1198 = vector.shape_cast %mul3A_1193 : vector<16xf32> to vector<1x16xf32>
      tpu.vector_store %arg12[%swap3A_1194, %swap3A_1195], %swap3A_1198 {strides = array<i32>} : memref<128x128xf32, #tpu.memory_space<vmem>>, vector<1x16xf32>,
      %get3A_1199 = arith.index_cast %scan3A_660 : i32 to index
      %get3A_1200 = arith.constant 64 : index
      %get3A_1201 = tpu.vector_load %arg6[%get3A_1199, %get3A_1200] {strides = array<i32>} : memref<128x128xf32, #tpu.memory_space<vmem>>, vector<1x16xf32>,
      %get3A_1202 = vector.shape_cast %get3A_1201 : vector<1x16xf32> to vector<16xf32>
      %mul3A_1203 = arith.mulf %div3A_807, %get3A_1202 : vector<16xf32>
      %get3A_1204 = arith.index_cast %scan3A_660 : i32 to index
      %get3A_1205 = arith.constant 64 : index
      %get3A_1206 = tpu.vector_load %arg7[%get3A_1204, %get3A_1205] {strides = array<i32>} : memref<128x128xf32, #tpu.memory_space<vmem>>, vector<1x16xf32>,
      %get3A_1207 = vector.shape_cast %get3A_1206 : vector<1x16xf32> to vector<16xf32>
      %mul3A_1208 = arith.mulf %div3A_954, %get3A_1207 : vector<16xf32>
      %add3A_1209 = arith.addf %mul3A_1203, %mul3A_1208 : vector<16xf32>
      %get3A_1210 = arith.index_cast %scan3A_660 : i32 to index
      %get3A_1211 = arith.constant 64 : index
      %get3A_1212 = tpu.vector_load %arg8[%get3A_1210, %get3A_1211] {strides = array<i32>} : memref<128x128xf32, #tpu.memory_space<vmem>>, vector<1x16xf32>,
      %get3A_1213 = vector.shape_cast %get3A_1212 : vector<1x16xf32> to vector<16xf32>
      %mul3A_1214 = arith.mulf %div3A_1101, %get3A_1213 : vector<16xf32>
      %add3A_1215 = arith.addf %add3A_1209, %mul3A_1214 : vector<16xf32>
      %mul3A_1216 = arith.mulf %add3A_1215, %div3A_1106 : vector<16xf32>
      %swap3A_1217 = arith.index_cast %scan3A_660 : i32 to index
      %swap3A_1218 = arith.constant 64 : index
      %swap3A_1219 = tpu.vector_load %arg12[%swap3A_1217, %swap3A_1218] {strides = array<i32>} : memref<128x128xf32, #tpu.memory_space<vmem>>, vector<1x16xf32>,
      %swap3A_1220 = vector.shape_cast %swap3A_1219 : vector<1x16xf32> to vector<16xf32>
      %swap3A_1221 = vector.shape_cast %mul3A_1216 : vector<16xf32> to vector<1x16xf32>
      tpu.vector_store %arg12[%swap3A_1217, %swap3A_1218], %swap3A_1221 {strides = array<i32>} : memref<128x128xf32, #tpu.memory_space<vmem>>, vector<1x16xf32>,
      %get3A_1222 = arith.index_cast %scan3A_660 : i32 to index
      %get3A_1223 = arith.constant 80 : index
      %get3A_1224 = tpu.vector_load %arg6[%get3A_1222, %get3A_1223] {strides = array<i32>} : memref<128x128xf32, #tpu.memory_space<vmem>>, vector<1x16xf32>,
      %get3A_1225 = vector.shape_cast %get3A_1224 : vector<1x16xf32> to vector<16xf32>
      %mul3A_1226 = arith.mulf %div3A_807, %get3A_1225 : vector<16xf32>
      %get3A_1227 = arith.index_cast %scan3A_660 : i32 to index
      %get3A_1228 = arith.constant 80 : index
      %get3A_1229 = tpu.vector_load %arg7[%get3A_1227, %get3A_1228] {strides = array<i32>} : memref<128x128xf32, #tpu.memory_space<vmem>>, vector<1x16xf32>,
      %get3A_1230 = vector.shape_cast %get3A_1229 : vector<1x16xf32> to vector<16xf32>
      %mul3A_1231 = arith.mulf %div3A_954, %get3A_1230 : vector<16xf32>
      %add3A_1232 = arith.addf %mul3A_1226, %mul3A_1231 : vector<16xf32>
      %get3A_1233 = arith.index_cast %scan3A_660 : i32 to index
      %get3A_1234 = arith.constant 80 : index
      %get3A_1235 = tpu.vector_load %arg8[%get3A_1233, %get3A_1234] {strides = array<i32>} : memref<128x128xf32, #tpu.memory_space<vmem>>, vector<1x16xf32>,
      %get3A_1236 = vector.shape_cast %get3A_1235 : vector<1x16xf32> to vector<16xf32>
      %mul3A_1237 = arith.mulf %div3A_1101, %get3A_1236 : vector<16xf32>
      %add3A_1238 = arith.addf %add3A_1232, %mul3A_1237 : vector<16xf32>
      %mul3A_1239 = arith.mulf %add3A_1238, %div3A_1106 : vector<16xf32>
      %swap3A_1240 = arith.index_cast %scan3A_660 : i32 to index
      %swap3A_1241 = arith.constant 80 : index
      %swap3A_1242 = tpu.vector_load %arg12[%swap3A_1240, %swap3A_1241] {strides = array<i32>} : memref<128x128xf32, #tpu.memory_space<vmem>>, vector<1x16xf32>,
      %swap3A_1243 = vector.shape_cast %swap3A_1242 : vector<1x16xf32> to vector<16xf32>
      %swap3A_1244 = vector.shape_cast %mul3A_1239 : vector<16xf32> to vector<1x16xf32>
      tpu.vector_store %arg12[%swap3A_1240, %swap3A_1241], %swap3A_1244 {strides = array<i32>} : memref<128x128xf32, #tpu.memory_space<vmem>>, vector<1x16xf32>,
      %get3A_1245 = arith.index_cast %scan3A_660 : i32 to index
      %get3A_1246 = arith.constant 96 : index
      %get3A_1247 = tpu.vector_load %arg6[%get3A_1245, %get3A_1246] {strides = array<i32>} : memref<128x128xf32, #tpu.memory_space<vmem>>, vector<1x16xf32>,
      %get3A_1248 = vector.shape_cast %get3A_1247 : vector<1x16xf32> to vector<16xf32>
      %mul3A_1249 = arith.mulf %div3A_807, %get3A_1248 : vector<16xf32>
      %get3A_1250 = arith.index_cast %scan3A_660 : i32 to index
      %get3A_1251 = arith.constant 96 : index
      %get3A_1252 = tpu.vector_load %arg7[%get3A_1250, %get3A_1251] {strides = array<i32>} : memref<128x128xf32, #tpu.memory_space<vmem>>, vector<1x16xf32>,
      %get3A_1253 = vector.shape_cast %get3A_1252 : vector<1x16xf32> to vector<16xf32>
      %mul3A_1254 = arith.mulf %div3A_954, %get3A_1253 : vector<16xf32>
      %add3A_1255 = arith.addf %mul3A_1249, %mul3A_1254 : vector<16xf32>
      %get3A_1256 = arith.index_cast %scan3A_660 : i32 to index
      %get3A_1257 = arith.constant 96 : index
      %get3A_1258 = tpu.vector_load %arg8[%get3A_1256, %get3A_1257] {strides = array<i32>} : memref<128x128xf32, #tpu.memory_space<vmem>>, vector<1x16xf32>,
      %get3A_1259 = vector.shape_cast %get3A_1258 : vector<1x16xf32> to vector<16xf32>
      %mul3A_1260 = arith.mulf %div3A_1101, %get3A_1259 : vector<16xf32>
      %add3A_1261 = arith.addf %add3A_1255, %mul3A_1260 : vector<16xf32>
      %mul3A_1262 = arith.mulf %add3A_1261, %div3A_1106 : vector<16xf32>
      %swap3A_1263 = arith.index_cast %scan3A_660 : i32 to index
      %swap3A_1264 = arith.constant 96 : index
      %swap3A_1265 = tpu.vector_load %arg12[%swap3A_1263, %swap3A_1264] {strides = array<i32>} : memref<128x128xf32, #tpu.memory_space<vmem>>, vector<1x16xf32>,
      %swap3A_1266 = vector.shape_cast %swap3A_1265 : vector<1x16xf32> to vector<16xf32>
      %swap3A_1267 = vector.shape_cast %mul3A_1262 : vector<16xf32> to vector<1x16xf32>
      tpu.vector_store %arg12[%swap3A_1263, %swap3A_1264], %swap3A_1267 {strides = array<i32>} : memref<128x128xf32, #tpu.memory_space<vmem>>, vector<1x16xf32>,
      %get3A_1268 = arith.index_cast %scan3A_660 : i32 to index
      %get3A_1269 = arith.constant 112 : index
      %get3A_1270 = tpu.vector_load %arg6[%get3A_1268, %get3A_1269] {strides = array<i32>} : memref<128x128xf32, #tpu.memory_space<vmem>>, vector<1x16xf32>,
      %get3A_1271 = vector.shape_cast %get3A_1270 : vector<1x16xf32> to vector<16xf32>
      %mul3A_1272 = arith.mulf %div3A_807, %get3A_1271 : vector<16xf32>
      %get3A_1273 = arith.index_cast %scan3A_660 : i32 to index
      %get3A_1274 = arith.constant 112 : index
      %get3A_1275 = tpu.vector_load %arg7[%get3A_1273, %get3A_1274] {strides = array<i32>} : memref<128x128xf32, #tpu.memory_space<vmem>>, vector<1x16xf32>,
      %get3A_1276 = vector.shape_cast %get3A_1275 : vector<1x16xf32> to vector<16xf32>
      %mul3A_1277 = arith.mulf %div3A_954, %get3A_1276 : vector<16xf32>
      %add3A_1278 = arith.addf %mul3A_1272, %mul3A_1277 : vector<16xf32>
      %get3A_1279 = arith.index_cast %scan3A_660 : i32 to index
      %get3A_1280 = arith.constant 112 : index
      %get3A_1281 = tpu.vector_load %arg8[%get3A_1279, %get3A_1280] {strides = array<i32>} : memref<128x128xf32, #tpu.memory_space<vmem>>, vector<1x16xf32>,
      %get3A_1282 = vector.shape_cast %get3A_1281 : vector<1x16xf32> to vector<16xf32>
      %mul3A_1283 = arith.mulf %div3A_1101, %get3A_1282 : vector<16xf32>
      %add3A_1284 = arith.addf %add3A_1278, %mul3A_1283 : vector<16xf32>
      %mul3A_1285 = arith.mulf %add3A_1284, %div3A_1106 : vector<16xf32>
      %swap3A_1286 = arith.index_cast %scan3A_660 : i32 to index
      %swap3A_1287 = arith.constant 112 : index
      %swap3A_1288 = tpu.vector_load %arg12[%swap3A_1286, %swap3A_1287] {strides = array<i32>} : memref<128x128xf32, #tpu.memory_space<vmem>>, vector<1x16xf32>,
      %swap3A_1289 = vector.shape_cast %swap3A_1288 : vector<1x16xf32> to vector<16xf32>
      %swap3A_1290 = vector.shape_cast %mul3A_1285 : vector<16xf32> to vector<1x16xf32>
      tpu.vector_store %arg12[%swap3A_1286, %swap3A_1287], %swap3A_1290 {strides = array<i32>} : memref<128x128xf32, #tpu.memory_space<vmem>>, vector<1x16xf32>,
    }
    %scan3A_35 = arith.constant 128 : i32
    "tpu.region"() ({
      %run_scoped3A_36 = tpu.sem_alloc : memref<!tpu.dma_semaphore, #tpu.memory_space<semaphore_mem>>
      %dma_start3A_37 = arith.constant 0 : i32
      %dma_start3A_38 = tpu.memref_slice %arg4[%mul3A_2, %dma_start3A_37] : memref<4096x128xf32, #tpu.memory_space<hbm>> -> memref<128x128xf32, #tpu.memory_space<hbm>>
      %dma_start3A_39 = arith.constant 0 : i32
      %dma_start3A_40 = tpu.memref_slice %arg4[%mul3A_2, %dma_start3A_39] : memref<4096x128xf32, #tpu.memory_space<hbm>> -> memref<128x128xf32, #tpu.memory_space<hbm>>
      tpu.enqueue_dma source(%arg12 : memref<128x128xf32, #tpu.memory_space<vmem>>) target(%dma_start3A_40 : memref<128x128xf32, #tpu.memory_space<hbm>>) target_semaphore(%run_scoped3A_36 : memref<!tpu.dma_semaphore, #tpu.memory_space<semaphore_mem>>)
      %dma_wait3A_41 = arith.constant 0 : i32
      %dma_wait3A_42 = tpu.memref_slice %arg4[%mul3A_2, %dma_wait3A_41] : memref<4096x128xf32, #tpu.memory_space<hbm>> -> memref<128x128xf32, #tpu.memory_space<hbm>>
      %dma_wait3A_43 = arith.constant 0 : i32
      %dma_wait3A_44 = tpu.memref_slice %arg4[%mul3A_2, %dma_wait3A_43] : memref<4096x128xf32, #tpu.memory_space<hbm>> -> memref<128x128xf32, #tpu.memory_space<hbm>>
      tpu.wait_dma2 semaphore(%run_scoped3A_36 : memref<!tpu.dma_semaphore, #tpu.memory_space<semaphore_mem>>) src(%arg12 : memref<128x128xf32, #tpu.memory_space<vmem>>) dst(%dma_wait3A_44 : memref<128x128xf32, #tpu.memory_space<hbm>>)
      tpu.yield
    }) : () -> ()
    return
  }
}

module attributes {stable_mosaic.version = 14 : i64} {
  func.func @_topk_body(%arg0: i32, %arg1: memref<4096x128xf32, #tpu.memory_space<vmem>>, %arg2: memref<256x128xf32, #tpu.memory_space<vmem>>, %arg3: memref<8x256xi32, #tpu.memory_space<vmem>>) attributes {dimension_semantics = [#tpu.dimension_semantics<arbitrary>], iteration_bounds = array<i64: 16>, scalar_prefetch = 0 : i64, scratch_operands = 0 : i64, tpu.core_type = #tpu.core_type<tc>, window_params = [{pipeline_mode = #tpu.pipeline_mode<synchronous>, transform_indices = @transform_0, window_bounds = array<i64: 4096, 128>}, {transform_indices = @transform_1, window_bounds = array<i64: 256, 128>}, {transform_indices = @transform_2, window_bounds = array<i64: 8, 256>}]} {
    %get3A = arith.constant 0 : index
    %get3A_0 = arith.constant 0 : index
    %get3A_1 = vector.load %arg1[%get3A, %get3A_0] : memref<4096x128xf32, #tpu.memory_space<vmem>>, vector<4096x128xf32>
    %get3A_2 = arith.constant 0 : index
    %get3A_3 = arith.constant 0 : index
    %get3A_4 = vector.load %arg2[%get3A_2, %get3A_3] : memref<256x128xf32, #tpu.memory_space<vmem>>, vector<256x128xf32>
    %mul3A = arith.mulf %get3A_1, %get3A_1 : vector<4096x128xf32>
    %reduce_sum3A = arith.constant dense<0.000000e+00> : vector<4096xf32>
    %reduce_sum3A_5 = vector.multi_reduction <add>, %mul3A, %reduce_sum3A [1] : vector<4096x128xf32> to vector<4096xf32>
    %broadcast_in_dim3A = vector.shape_cast %reduce_sum3A_5 : vector<4096xf32> to vector<4096x1xf32>
    %mul3A_6 = arith.constant 5.000000e-01 : f32
    %mul3A_7 = vector.broadcast %mul3A_6 : f32 to vector<4096x1xf32>
    %mul3A_8 = arith.mulf %mul3A_7, %broadcast_in_dim3A : vector<4096x1xf32>
    %dot_general3A = arith.constant dense<0.000000e+00> : vector<4096x256xf32>
    %dot_general3A_9 = tpu.matmul %get3A_1, %get3A_4, %dot_general3A {dimension_numbers = #tpu.dot_dimension_numbers<[1], [1], [0], [0], [0, 0, 1, 0], [], []>, transpose_lhs_hint = false} : vector<4096x128xf32>, vector<256x128xf32>, vector<4096x256xf32> -> vector<4096x256xf32>
    %sub3A = vector.broadcast %mul3A_8 : vector<4096x1xf32> to vector<4096x256xf32>
    %sub3A_10 = arith.subf %sub3A, %dot_general3A_9 : vector<4096x256xf32>
    %bitcast_convert_type3A = tpu.bitcast %sub3A_10 : vector<4096x256xf32> -> vector<4096x256xi32>
    %shift_right_arithmetic3A = arith.constant 31 : i32
    %shift_right_arithmetic3A_11 = vector.broadcast %shift_right_arithmetic3A : i32 to vector<4096x256xi32>
    %shift_right_arithmetic3A_12 = arith.shrsi %bitcast_convert_type3A, %shift_right_arithmetic3A_11 : vector<4096x256xi32>
    %shift_right_logical3A = arith.constant 1 : i32
    %shift_right_logical3A_13 = vector.broadcast %shift_right_logical3A : i32 to vector<4096x256xi32>
    %shift_right_logical3A_14 = arith.shrui %shift_right_arithmetic3A_12, %shift_right_logical3A_13 : vector<4096x256xi32>
    %iota3A = tpu.iota {dimensions = array<i32: 0>} : vector<4096x256xi32>
    %xor3A = arith.xori %bitcast_convert_type3A, %shift_right_logical3A_14 : vector<4096x256xi32>
    %not3A = arith.constant 4095 : i32
    %not3A_15 = arith.constant -1 : i32
    %not3A_16 = arith.xori %not3A, %not3A_15 : i32
    %and3A = vector.broadcast %not3A_16 : i32 to vector<4096x256xi32>
    %and3A_17 = arith.andi %xor3A, %and3A : vector<4096x256xi32>
    %or3A = arith.ori %and3A_17, %iota3A : vector<4096x256xi32>
    %reduce_min3A = arith.constant dense<2147483647> : vector<256xi32>
    %reduce_min3A_18 = vector.multi_reduction <minsi>, %or3A, %reduce_min3A [0] : vector<4096x256xi32> to vector<256xi32>
    %broadcast_in_dim3A_19 = vector.shape_cast %reduce_min3A_18 : vector<256xi32> to vector<1x256xi32>
    %and3A_20 = arith.constant 4095 : i32
    %and3A_21 = vector.broadcast %and3A_20 : i32 to vector<1x256xi32>
    %and3A_22 = arith.andi %broadcast_in_dim3A_19, %and3A_21 : vector<1x256xi32>
    %eq3A = vector.broadcast %broadcast_in_dim3A_19 : vector<1x256xi32> to vector<4096x256xi32>
    %eq3A_23 = arith.cmpi eq, %or3A, %eq3A : vector<4096x256xi32>
    %jit3A = arith.constant 2147483647 : i32
    %broadcast_in_dim3A_24 = vector.broadcast %jit3A : i32 to vector<4096x256xi32>
    %select_n3A = arith.select %eq3A_23, %broadcast_in_dim3A_24, %or3A : vector<4096x256xi1>, vector<4096x256xi32>
    %reduce_min3A_25 = arith.constant dense<2147483647> : vector<256xi32>
    %reduce_min3A_26 = vector.multi_reduction <minsi>, %select_n3A, %reduce_min3A_25 [0] : vector<4096x256xi32> to vector<256xi32>
    %broadcast_in_dim3A_27 = vector.shape_cast %reduce_min3A_26 : vector<256xi32> to vector<1x256xi32>
    %and3A_28 = arith.constant 4095 : i32
    %and3A_29 = vector.broadcast %and3A_28 : i32 to vector<1x256xi32>
    %and3A_30 = arith.andi %broadcast_in_dim3A_27, %and3A_29 : vector<1x256xi32>
    %eq3A_31 = vector.broadcast %broadcast_in_dim3A_27 : vector<1x256xi32> to vector<4096x256xi32>
    %eq3A_32 = arith.cmpi eq, %select_n3A, %eq3A_31 : vector<4096x256xi32>
    %jit3A_33 = arith.constant 2147483647 : i32
    %broadcast_in_dim3A_34 = vector.broadcast %jit3A_33 : i32 to vector<4096x256xi32>
    %select_n3A_35 = arith.select %eq3A_32, %broadcast_in_dim3A_34, %select_n3A : vector<4096x256xi1>, vector<4096x256xi32>
    %reduce_min3A_36 = arith.constant dense<2147483647> : vector<256xi32>
    %reduce_min3A_37 = vector.multi_reduction <minsi>, %select_n3A_35, %reduce_min3A_36 [0] : vector<4096x256xi32> to vector<256xi32>
    %broadcast_in_dim3A_38 = vector.shape_cast %reduce_min3A_37 : vector<256xi32> to vector<1x256xi32>
    %and3A_39 = arith.constant 4095 : i32
    %and3A_40 = vector.broadcast %and3A_39 : i32 to vector<1x256xi32>
    %and3A_41 = arith.andi %broadcast_in_dim3A_38, %and3A_40 : vector<1x256xi32>
    %broadcast_in_dim3A_42 = arith.constant 0 : i32
    %broadcast_in_dim3A_43 = vector.broadcast %broadcast_in_dim3A_42 : i32 to vector<5x256xi32>
    %concatenate3A = tpu.concatenate %and3A_22, %and3A_30, %and3A_41, %broadcast_in_dim3A_43 in 0 : vector<1x256xi32>, vector<1x256xi32>, vector<1x256xi32>, vector<5x256xi32> -> vector<8x256xi32>
    %swap3A = arith.constant 0 : index
    %swap3A_44 = arith.constant 0 : index
    %swap3A_45 = vector.load %arg3[%swap3A, %swap3A_44] : memref<8x256xi32, #tpu.memory_space<vmem>>, vector<8x256xi32>
    tpu.vector_store %arg3[%swap3A, %swap3A_44], %concatenate3A {strides = array<i32>} : memref<8x256xi32, #tpu.memory_space<vmem>>, vector<8x256xi32>,
    return
  }
  func.func @transform_0(%arg0: i32) -> (i32, i32) {
    %c0_i32 = arith.constant 0 : i32
    %c0_i32_0 = arith.constant 0 : i32
    %c0_i32_1 = arith.constant 0 : i32
    return %c0_i32, %c0_i32_0 : i32, i32
  }
  func.func @transform_1(%arg0: i32) -> (i32, i32) {
    %c0_i32 = arith.constant 0 : i32
    %c0_i32_0 = arith.constant 0 : i32
    return %arg0, %c0_i32 : i32, i32
  }
  func.func @transform_2(%arg0: i32) -> (i32, i32) {
    %c0_i32 = arith.constant 0 : i32
    %c0_i32_0 = arith.constant 0 : i32
    return %c0_i32, %arg0 : i32, i32
  }
}

</mosaic_0001>

<sc_bundles>
// kernel: kernel.4.cloned.1.call-start
scs
__scs_entry_jumppad:
0x0: {  	(pc) =	sbr.rel $0x88, $3  }
0x1: {  	(tag) =	ssettag $0x0;
	lr =	simm.s32 $0x1  }
0x2: {  	[smem:$0x3FA0] =	sst lr;
	_ =	strace $0xD0000000  }
0x3: {  	_ = 	snop  }
0x4: {  	_ = 	snop  }
0x5: {  	_ = 	snop  }
0x6: {  	_ = 	snop  }
0x7: {  	_ = 	snop  }
__scs_overlays_trampoline_lowered:
0x8: {  	[smem:$0x3FAF] =	sst s0  }
0x9: {  	[smem:$0x3FB0] =	sst s1  }
0xa: {  	[smem:$0x3FB1] =	sst s2  }
0xb: {  	[smem:$0x3FB2] =	sst s3  }
0xc: {  	[smem:$0x3FB3] =	sst s4  }
0xd: {  	[smem:$0x3FB4] =	sst s5  }
0xe: {  	[smem:$0x3FB5] =	sst s6  }
0xf: {  	[smem:$0x3FB6] =	sst s7  }
0x10: {  	[smem:$0x3FB7] =	sst s8  }
0x11: {  	[smem:$0x3FB8] =	sst s9;
	s0 =	simm.s32 @!p0 $0x0  }
0x12: {  	s1 =	sld [smem:$0x3F9E];
	s0 =	simm.s32 @p0 $0x1  }
0x13: {  	[smem:$0x3FB9] =	sst s0;
	s0 =	simm.s32 @!p1 $0x0  }
0x14: {  	s2 =	sld [smem:$0x3F9D];
	s0 =	simm.s32 @p1 $0x1  }
0x15: {  	[smem:$0x3FBA] =	sst s0;
	s0 =	simm.s32 @!p2 $0x0  }
0x16: {  	s3 =	sld [smem:$0x3FDB];
	s0 =	simm.s32 @p2 $0x1  }
0x17: {  	s4 =	simm.s32 $0x1BF5;
	[smem:$0x3FBC] =	sst s0  }
0x18: {  	s0 =	sld [smem:$0x3F9F];
	_ =	swait.ge [sflag:s4], $0x0  }
0x19: {  	s7 =	sld [smem:$0x3FA0]  }
0x1a: {  	s8 =	sadd.s32 $0xFFFFE003, lr  }
0x1b: {  	s9 =	sadd.s32 $0xFFFFFEF7, lr;
	s5 =	simm.s32 $0xFFFFFFFF;
	p2 =	slt.u32 s8, $0xFFFFF086  }
0x1c: {  	p1 =	slt.u32 s9, $0xF7A;
	s5 =	simm.s32 @!p2 $0x0  }
0x1d: {  	s5 =	simm.s32 @p1 $0x1;
	p0 =	seq.s32 s7, s2  }
0x1e: {  	s7 =	smul.u32 @!p0 $0xF7A, s2;
	p2 =	seq.s32 @!p0 s5, $0x0  }
0x1f: {  	s9 =	smul.u32 $0xF7A, s1;
	s8 =	simm.s32 @!p0 $0x1BF5;
	p2 =	por !p2, p0  }
0x20: {  	[sflag:s8] =	ssyncset.s32 @!p0 $0xFFFFF086;
	s6 =	sadd.s32 @!p0 s3, s7;
	s7 =	simm.s32 @!p0 $0x108  }
0x21: {  	s3 =	sadd.s32 s3, s9;
	s6 =	sadd.s32 @!p0 $0x88, s6;
	s7 =	simm.s32 @p2 $0x1082  }
0x22: {  	[simem:s7], [sflag:s8] =	dma.local @!p0 [hbm:s6], $0xF7A  }
0x23: {  	s9 =	sor.u32 $0xD0000000, s2;
	s6 =	simm.s32 $0x108;
	_ =	swait.ge @!p0 [sflag:s8], $0x0  }
0x24: {  	s3 =	sadd.s32 $0x88, s3;
	s6 =	simm.s32 @!p1 $0x1082;
	[sflag:s4] =	ssyncset.s32 $0xFFFFF086  }
0x25: {  	[simem:s6], [sflag:s4] =	dma.local [hbm:s3], $0xF7A  }
0x26: {  	[smem:$0x3FA0] =	sst s1;
	(tag) =	ssettag s2;
	_ =	strace s9  }
0x27: {  	s1 =	sld [smem:$0x3FB0]  }
0x28: {  	s2 =	sld [smem:$0x3FB1]  }
0x29: {  	s4 =	sld [smem:$0x3FB3]  }
0x2a: {  	p0 =	seq.s32 s5, $0x0;
	s5 =	sld [smem:$0x3FB4]  }
0x2b: {  	s6 =	sld [smem:$0x3FB5]  }
0x2c: {  	s7 =	sld [smem:$0x3FB6]  }
0x2d: {  	s3 =	simm.s32 $0x108;
	s8 =	sld [smem:$0x3FB7]  }
0x2e: {  	s3 =	simm.s32 @!p0 $0x1082;
	s9 =	sld [smem:$0x3FB8]  }
0x2f: {  	lr =	sadd.s32 s0, s3;
	s0 =	sld [smem:$0x3FAF]  }
0x30: {  	s3 =	sld [smem:$0x3FB2]  }
0x31: {  	[smem:$0x3FBB] =	sst s10  }
0x32: {  	s10 =	sld [smem:$0x3FB9];
	_ =	sdelay $0x3  }
0x33: {  	p0 =	seq.s32 s10, $0x1;
	s10 =	sld [smem:$0x3FBB];
	_ =	sdelay $0x3  }
0x34: {  	[smem:$0x3FBB] =	sst s10  }
0x35: {  	s10 =	sld [smem:$0x3FBA];
	_ =	sdelay $0x3  }
0x36: {  	p1 =	seq.s32 s10, $0x1;
	s10 =	sld [smem:$0x3FBB];
	_ =	sdelay $0x3  }
0x37: {  	[smem:$0x3FBB] =	sst s10  }
0x38: {  	s10 =	sld [smem:$0x3FBC]  }
0x39: {  	_ = 	snop;
	(pc) =	sbr.ind lr, $3  }
0x3a: {  	_ = 	snop  }
0x3b: {  	_ = 	snop  }
0x3c: {  	p2 =	seq.s32 s10, $0x1;
	s10 =	sld [smem:$0x3FBB]  }
0x3d: {  	_ =	shalt  }
0x3e: {  	_ =	shalt  }
0x3f: {  	_ =	shalt  }
0x40: {  	_ =	shalt  }
0x41: {  	_ =	shalt  }
0x42: {  	_ =	shalt  }
0x43: {  	_ =	shalt  }
0x44: {  	_ =	shalt  }
0x45: {  	_ =	shalt  }
0x46: {  	_ =	shalt  }
0x47: {  	_ =	shalt  }
0x48: {  	_ =	shalt  }
0x49: {  	_ =	shalt  }
0x4a: {  	_ =	shalt  }
0x4b: {  	_ =	shalt  }
0x4c: {  	_ =	shalt  }
0x4d: {  	_ =	shalt  }
0x4e: {  	_ =	shalt  }
0x4f: {  	_ =	shalt  }
0x50: {  	_ =	shalt  }
0x51: {  	_ =	shalt  }
0x52: {  	_ =	shalt  }
0x53: {  	_ =	shalt  }
0x54: {  	_ =	shalt  }
0x55: {  	_ =	shalt  }
0x56: {  	_ =	shalt  }
0x57: {  	_ =	shalt  }
0x58: {  	_ =	shalt  }
0x59: {  	_ =	shalt  }
0x5a: {  	_ =	shalt  }
0x5b: {  	_ =	shalt  }
0x5c: {  	_ =	shalt  }
0x5d: {  	_ =	shalt  }
0x5e: {  	_ =	shalt  }
0x5f: {  	_ =	shalt  }
0x60: {  	_ =	shalt  }
0x61: {  	_ =	shalt  }
0x62: {  	_ =	shalt  }
0x63: {  	_ =	shalt  }
0x64: {  	_ =	shalt  }
0x65: {  	_ =	shalt  }
0x66: {  	_ =	shalt  }
0x67: {  	_ =	shalt  }
0x68: {  	_ =	shalt  }
0x69: {  	_ =	shalt  }
0x6a: {  	_ =	shalt  }
0x6b: {  	_ =	shalt  }
0x6c: {  	_ =	shalt  }
0x6d: {  	_ =	shalt  }
0x6e: {  	_ =	shalt  }
0x6f: {  	_ =	shalt  }
0x70: {  	_ =	shalt  }
0x71: {  	_ =	shalt  }
0x72: {  	_ =	shalt  }
0x73: {  	_ =	shalt  }
0x74: {  	_ =	shalt  }
0x75: {  	_ =	shalt  }
0x76: {  	_ =	shalt  }
0x77: {  	_ =	shalt  }
0x78: {  	_ =	shalt  }
0x79: {  	_ =	shalt  }
0x7a: {  	_ =	shalt  }
0x7b: {  	_ =	shalt  }
0x7c: {  	_ =	shalt  }
0x7d: {  	_ =	shalt  }
0x7e: {  	_ =	shalt  }
0x7f: {  	_ =	shalt  }
0x80: {  	_ =	shalt  }
0x81: {  	_ =	shalt  }
0x82: {  	_ =	shalt  }
0x83: {  	_ =	shalt  }
0x84: {  	_ =	shalt  }
0x85: {  	_ =	shalt  }
0x86: {  	_ =	shalt  }
0x87: {  	_ =	shalt  }
.Lfunc_end0:
.L_simem_size_0:
called_computation_lowered:
.L_overlay_start_0:
0x88: {  	s2 =	sld [smem:$0x3FD9]  }
0x89: {  	s3 =	sld [smem:$0x3FFE];
	_ =	sdelay $0x1  }
0x8a: {  	s1 =	srdreg.scid  }
0x8b: {  	s0 =	sand.u32 $0x1, s1  }
0x8c: {  	s17 =	sshll.u32 s0, $0xA;
	s2 =	sadd.s32 s3, s2  }
0x8d: {  	s2 =	sadd.s32 s2, s17  }
0x8e: {  	[smem:$0x3FC7] =	sst s2  }
0x8f: {  	_ = 	snop  }
0x90: {  	s2 =	sld [smem:$0x3FC9]  }
0x91: {  	s18 =	sld [smem:$0x3FD0];
	(tm) =	ssettm $0x1  }
0x92: {  	s4 =	sld [smem:$0x3FFB];
	_ =	sdelay $0x3  }
0x93: {  	_ =	strace s4  }
0x94: {  	s4 =	sld [smem:$0x3FFC];
	_ =	sdelay $0x3  }
0x95: {  	_ =	strace s4  }
0x96: {  	s4 =	sld [smem:$0x3FFD];
	_ =	sdelay $0x3  }
0x97: {  	_ =	strace s4  }
0x98: {  	_ =	strace $0x8FFFFFFF  }
0x99: {  	s19 =	sld [smem:$0x3FDB];
	_ =	sdelay $0x1  }
0x9a: {  	s5 =	simm.s32 $_scs_section_size  }
0x9b: {  	s6 =	simm.s32 $_size__tile_overlayer_lowered;
	s7 =	simm.s32 $_tile_overlayer_lowered  }
0x9c: {  	s22 =	simm.s32 $0x1BFF;
	s21 =	sshll.u32 s7, $0x1;
	s4 =	sadd.s32 s5, s19  }
0x9d: {  	s8 =	simm.s32 $0x0;
	s20 =	sshll.u32 s6, $0x1;
	s6 =	sadd.s32 s21, s4  }
0x9e: {  	[timem:s8], [sflag:s22] =	dma.local [hbm:s6], s20  }
0x9f: {  	_ =	swait.ge [sflag:s22], s20  }
0xa0: {  	s5 =	ssub.s32 $0x0, s20;
	[sflag:s22] =	ssyncset.done $0x0  }
0xa1: {  	[sflag:s22] =	ssyncadd.s32 s5;
	_ =	sdelay $0x1  }
0xa2: {  	s23 =	simm.s32 $0x1B8B  }
0xa3: {  	_ =	swait.ge [sflag:s23], $0x1  }
0xa4: {  	[sflag:s23] =	ssyncset.done $0x0  }
0xa5: {  	s25 =	simm.s32 $0x1B8E;
	s24 =	sld [smem:$0x3FFE];
	[sflag:s23] =	ssyncadd.s32 $0xFFFFFFFF  }
0xa6: {  	s26 =	simm.s32 $execute0_lowered;
	[smem:$0x3FD2] =	sst s25  }
0xa7: {  	s6 =	sshll.u32 s26, $0x1;
	_ =	strace $0x80000046;
	[dreg:$0x1] =	wrdreg $0xFFFFFFFF  }
0xa8: {  	s28 =	simm.s32 $_size_execute0_lowered;
	s4 =	sadd.s32 s4, s6;
	[dreg:$0x0] =	wrdreg $0x0  }
0xa9: {  	s6 =	sshll.u32 s28, $0x1;
	[dreg:$0x2] =	wrdreg s4  }
0xaa: {  	[dreg:$0x3] =	wrdreg s6  }
0xab: {  	[dreg:$0x4] =	wrdreg $0xC0  }
0xac: {  	_ =	task [dreg:s8], $0x5FFFF  }
0xad: {  	[dreg:$0x1] =	wrdreg $0xFFFFFFFF  }
0xae: {  	[dreg:$0x0] =	wrdreg $0x60  }
0xaf: {  	[dreg:$0x2] =	wrdreg s2  }
0xb0: {  	[dreg:$0x3] =	wrdreg s24  }
0xb1: {  	[dreg:$0x4] =	wrdreg s18  }
0xb2: {  	[dreg:$0x5] =	wrdreg $0x9  }
0xb3: {  	_ =	task.clear_ibuf [dreg:s8], $0x6FFFF;
	_ =	strace $0x90000046  }
0xb4: {  	s29 =	simm.s32 $0x9;
	_ =	strace $0x80000048  }
0xb5: {  	_ =	swait.ge [sflag:s29], $0x1  }
0xb6: {  	[sflag:s29] =	ssyncadd.s32 $0xFFFFFFFF  }
0xb7: {  	_ =	strace $0x90000048  }
0xb8: {  	_ =	sfence  }
0xb9: {  	s30 =	sld [smem:$0x0];
	_ =	sdelay $0x2  }
0xba: {  	s31 =	sshll.u32 s1, $0xD;
	s1 =	sshrl.u32 s1, $0x2  }
0xbb: {  	s3 =	sand.u32 $0x4000, s31;
	s1 =	sadd.s32 s1, s30  }
0xbc: {  	s0 =	sor.u32 s3, s0;
	s1 =	sshll.u32 s1, $0x11  }
0xbd: {  	s0 =	sor.u32 s1, s0  }
0xbe: {  	s0 =	sadd.s32 $0x8F2B, s0  }
0xbf: {  	[sflag:s0] =	ssyncadd.remote.s32 $0x1  }
0xc0: {  	_ =	sfence.sel $0xFFFF  }
0xc1: {  	[dreg:$0x0] =	wrdreg $0xFFFFFFFF;
	(pc) =	sbr.abs _section_cstart, $3  }
0xc2: {  	[dreg:$0x1] =	wrdreg $0xFFFFFFFF  }
0xc3: {  	_ =	task.clear_ibuf [dreg:s8], $0x2FFFF;
	_ =	strace $0x9FFFFFFF  }
0xc4: {  	(tm) =	ssettm $0x7FFFFFFF  }
0xc5: {  	_ =	shalt  }
tec
execute0_lowered:
.L_overlay_start_1:
0x0: {  	(tag) =	ssettag $0x1  }
0x1: {  	s1 =	rddreg [dreg:$0x0]  }
0x2: {  	s4 =	rddreg [dreg:$0x1]  }
0x3: {  	s8 =	rddreg [dreg:$0x2];
	s5 =	srdreg.scid  }
0x4: {  	s0 =	stileid.u32;
	s3 =	simm.s32 $0x0;
	s11 =	simm.s32 $0x3  }
0x5: {  	s13 =	simm.s32 $0x10100;
	s17 =	simm.s32 $0x2;
	s18 =	simm.s32 $0x1  }
0x6: {  	s20 =	simm.s32 $0x0;
	s5 =	sand.u32 $0x1, s5;
	s6 =	sshll.u32 s0, $0x1  }
0x7: {  	[smem:$0x7FF] =	sst s3;
	s6 =	sor.u32 s5, s6;
	s5 =	ssub.s32 $0x2, s5  }
0x8: {  	_ =	strace $0x80000047;
	s7 =	sshll.u32 s6, $0x4;
	s31 =	sshrl.u32 s5, $0x1  }
0x9: {  	s9 =	sshll.u32 s6, $0xB;
	s7 =	sadd.s32 s7, s4;
	s10 =	ssub.s32 s5, s31  }
0xa: {  	s4 =	sadd.s32 s1, s9;
	s8 =	sadd.s32 s8, s9;
	s5 =	sadd.s32 $0x600, s7  }
0xb: {  	s6 =	sadd.s32 $0x800, s7;
	s7 =	sadd.s32 $0xA00, s7;
	s9 =	smax.u32 s10, $0x1  }
.LBB2_1:
0xc: {  	[tilespmem:s3], [sflag:$0x2] =	stream.linear.gather [hbm4b:s4+s3], $0x4000, $0x38;
	[tilespmem:$0x14180] =	vst v63  }
0xd: {  	s0 =	simm.s32 $0x10000  }
0xe: {  	[tilespmem:s0], [sflag:$0x3] =	stream.linear.gather [hbm4b:s5+s3], $0x80, $0x38;
	[tilespmem:$0x14180] =	vst v63  }
0xf: {  	_ =	swait.ge [sflag:s11], $0x80  }
0x10: {  	[sflag:s11] =	ssyncset.done $0x0  }
0x11: {  	s2 =	simm.s32 $0x10080;
	[sflag:s11] =	ssyncadd.s32 $0xFFFFFF80  }
0x12: {  	[tilespmem:s2], [sflag:$0x3] =	stream.linear.gather [hbm4b:s6+s3], $0x80, $0x38;
	[tilespmem:$0x14180] =	vst v63  }
0x13: {  	_ =	swait.ge [sflag:s11], $0x80  }
0x14: {  	[sflag:s11] =	ssyncset.done $0x0  }
0x15: {  	[sflag:s11] =	ssyncadd.s32 $0xFFFFFF80  }
0x16: {  	[tilespmem:s13], [sflag:$0x3] =	stream.linear.gather [hbm4b:s7+s3], $0x80, $0x38;
	[tilespmem:$0x14180] =	vst v63  }
0x17: {  	_ =	swait.ge [sflag:s11], $0x80  }
0x18: {  	[sflag:s11] =	ssyncset.done $0x0  }
0x19: {  	s21 =	simm.s32 $0x80;
	s10 =	simm.s32 $0x4000;
	[sflag:s11] =	ssyncadd.s32 $0xFFFFFF80  }
0x1a: {  	[tilespmem:s10], [sflag:$0x1] =	stream.indirect.gather [hbm4b:s1+s21], $0x80, s0, s21, $0xb8;
	[tilespmem:$0x14180] =	vst v63  }
0x1b: {  	s30 =	simm.s32 $0x8000  }
0x1c: {  	[tilespmem:s30], [sflag:$0x1] =	stream.indirect.gather [hbm4b:s1+s21], $0x80, s2, s21, $0xb8;
	[tilespmem:$0x14180] =	vst v63  }
0x1d: {  	s31 =	simm.s32 $0xC000  }
0x1e: {  	[tilespmem:s31], [sflag:$0x1] =	stream.indirect.gather [hbm4b:s1+s21], $0x80, s13, s21, $0xb8;
	[tilespmem:$0x14180] =	vst v63  }
0x1f: {  	_ =	swait.ge [sflag:s17], $0x4000  }
0x20: {  	[sflag:s17] =	ssyncset.done $0x0  }
0x21: {  	[sflag:s17] =	ssyncadd.s32 $0xFFFFC000  }
0x22: {  	_ =	swait.ge [sflag:s18], $0x4000  }
0x23: {  	[sflag:s18] =	ssyncset.done $0x0  }
0x24: {  	[sflag:s18] =	ssyncadd.s32 $0xFFFFC000  }
0x25: {  	_ =	swait.ge [sflag:s18], $0x4000  }
0x26: {  	[sflag:s18] =	ssyncset.done $0x0  }
0x27: {  	[sflag:s18] =	ssyncadd.s32 $0xFFFFC000  }
0x28: {  	s22 =	simm.s32 $0xFFFFFFFE;
	_ =	swait.ge [sflag:s18], $0x4000  }
0x29: {  	s23 =	simm.s32 $0x10200;
	s24 =	simm.s32 $0xC080;
	[sflag:s18] =	ssyncset.done $0x0  }
0x2a: {  	s25 =	simm.s32 $0x8080;
	s26 =	simm.s32 $0x4080;
	[sflag:s18] =	ssyncadd.s32 $0xFFFFC000  }
.LBB2_2:
0x2b: {  	v0 =	vld [tilespmem:s26+$0xFFFFFF80]  }
0x2c: {  	v3 =	vld [tilespmem:s21+$0xFFFFFF80]  }
0x2d: {  	v1 =	vld [tilespmem:s26+$0xFFFFFF90]  }
0x2e: {  	v4 =	vld [tilespmem:s21+$0xFFFFFF90]  }
0x2f: {  	v2 =	vld [tilespmem:s26+$0xFFFFFFA0]  }
0x30: {  	v5 =	vld [tilespmem:s21+$0xFFFFFFA0]  }
0x31: {  	v6 =	vld [tilespmem:s26+$0xFFFFFFB0]  }
0x32: {  	v7 =	vld [tilespmem:s21+$0xFFFFFFB0]  }
0x33: {  	v8 =	vld [tilespmem:s26+$0xFFFFFFC0]  }
0x34: {  	v9 =	vld [tilespmem:s21+$0xFFFFFFC0]  }
0x35: {  	v10 =	vld [tilespmem:s26+$0xFFFFFFD0]  }
0x36: {  	v11 =	vld [tilespmem:s21+$0xFFFFFFD0]  }
0x37: {  	v12 =	vld [tilespmem:s26+$0xFFFFFFE0]  }
0x38: {  	v13 =	vld [tilespmem:s21+$0xFFFFFFE0]  }
0x39: {  	v15 =	vld [tilespmem:s26+$0xFFFFFFF0]  }
0x3a: {  	v16 =	vld [tilespmem:s21+$0xFFFFFFF0]  }
0x3b: {  	v14 =	vsub.f32 v0, v3;
	v1 =	vsub.f32 v1, v4  }
0x3c: {  	v2 =	vsub.f32 v2, v5;
	v6 =	vsub.f32 v6, v7  }
0x3d: {  	v8 =	vsub.f32 v8, v9;
	v14 =	vmul.f32 v14, v14;
	v1 =	vmul.f32 v1, v1  }
0x3e: {  	v10 =	vsub.f32 v10, v11;
	v2 =	vmul.f32 v2, v2;
	v6 =	vmul.f32 v6, v6  }
0x3f: {  	v23 =	vsub.f32 v12, v13;
	v24 =	vsub.f32 v15, v16;
	v21 =	vmul.f32 v8, v8  }
0x40: {  	v22 =	vmul.f32 v10, v10;
	v2 =	vadd.f32 v2, v14;
	v1 =	vadd.f32 v6, v1  }
0x41: {  	v27 =	vld [tilespmem:s25+$0xFFFFFF80];
	v25 =	vmul.f32 v23, v23  }
0x42: {  	v31 =	vld [tilespmem:s25+$0xFFFFFFC0];
	v26 =	vmul.f32 v24, v24;
	v2 =	vadd.f32 v21, v2;
	v1 =	vadd.f32 v22, v1  }
0x43: {  	v17 =	vld [tilespmem:s25+$0xFFFFFFE0]  }
0x44: {  	v18 =	vld [tilespmem:s25+$0xFFFFFFF0];
	v2 =	vadd.f32 v25, v2;
	v1 =	vadd.f32 v26, v1  }
0x45: {  	v29 =	vld [tilespmem:s25+$0xFFFFFFA0]  }
0x46: {  	v30 =	vld [tilespmem:s25+$0xFFFFFFB0];
	v2 =	vadd.f32 v1, v2  }
0x47: {  	v28 =	vld [tilespmem:s25+$0xFFFFFF90];
	v33 =	vsub.f32 v27, v3;
	v12 =	vsub.f32 v31, v9  }
0x48: {  	v36 =	vsub.f32 v17, v13;
	(v2sf) =	vpush v2, $0x0  }
0x49: {  	v32 =	vld [tilespmem:s25+$0xFFFFFFD0];
	v37 =	vsub.f32 v18, v16;
	(v2sf) =	vpush v2, $0x1  }
0x4a: {  	v8 =	vsub.f32 v29, v5;
	(v2sf) =	vpush v2, $0x2  }
0x4b: {  	v10 =	vsub.f32 v30, v7;
	(v2sf) =	vpush v2, $0x3  }
0x4c: {  	v15 =	vmul.f32 v33, v33;
	v6 =	vsub.f32 v28, v4;
	(v2sf) =	vpush v2, $0x4  }
0x4d: {  	v8 =	vmul.f32 v8, v8;
	v10 =	vmul.f32 v10, v10;
	(v2sf) =	vpush v2, $0x5  }
0x4e: {  	v14 =	vsub.f32 v32, v11;
	v6 =	vmul.f32 v6, v6;
	(v2sf) =	vpush v2, $0x6  }
0x4f: {  	v34 =	vmul.f32 v12, v12;
	v8 =	vadd.f32 v8, v15;
	(v2sf) =	vpush v2, $0x7  }
0x50: {  	v40 =	vld [tilespmem:s24+$0xFFFFFF80];
	v35 =	vmul.f32 v14, v14;
	v6 =	vadd.f32 v10, v6;
	(v2sf) =	vpush v2, $0x8  }
0x51: {  	v38 =	vmul.f32 v36, v36;
	v8 =	vadd.f32 v34, v8;
	(v2sf) =	vpush v2, $0x9  }
0x52: {  	v44 =	vld [tilespmem:s24+$0xFFFFFFC0];
	v39 =	vmul.f32 v37, v37;
	v6 =	vadd.f32 v35, v6;
	(v2sf) =	vpush v2, $0xA  }
0x53: {  	v47 =	vld [tilespmem:s24+$0xFFFFFFF0];
	v8 =	vadd.f32 v38, v8;
	(v2sf) =	vpush v2, $0xB  }
0x54: {  	v42 =	vld [tilespmem:s24+$0xFFFFFFA0];
	v6 =	vadd.f32 v39, v6;
	(v2sf) =	vpush v2, $0xC  }
0x55: {  	v43 =	vld [tilespmem:s24+$0xFFFFFFB0];
	v3 =	vsub.f32 v40, v3;
	(v2sf) =	vpush v2, $0xD  }
0x56: {  	v41 =	vld [tilespmem:s24+$0xFFFFFF90];
	v6 =	vadd.f32 v6, v8;
	(v2sf) =	vpush v2, $0xE  }
0x57: {  	v9 =	vsub.f32 v44, v9;
	(v2sf) =	vpush v2, $0xF;
	s28 =	spop (v2sf)  }
0x58: {  	v45 =	vld [tilespmem:s24+$0xFFFFFFD0];
	v50 =	vsub.f32 v47, v16;
	(v2sf) =	vpush v6, $0x0;
	s29 =	spop (v2sf)  }
0x59: {  	v5 =	vsub.f32 v42, v5;
	(v2sf) =	vpush v6, $0x1;
	s30 =	spop (v2sf)  }
0x5a: {  	v7 =	vsub.f32 v43, v7;
	(v2sf) =	vpush v6, $0x2;
	s31 =	spop (v2sf)  }
0x5b: {  	v46 =	vld [tilespmem:s24+$0xFFFFFFE0];
	v3 =	vmul.f32 v3, v3;
	v4 =	vsub.f32 v41, v4;
	(v2sf) =	vpush v6, $0x3;
	s0 =	spop (v2sf)  }
0x5c: {  	v5 =	vmul.f32 v5, v5;
	v7 =	vmul.f32 v7, v7;
	(v2sf) =	vpush v6, $0x4;
	s2 =	spop (v2sf)  }
0x5d: {  	v11 =	vsub.f32 v45, v11;
	v4 =	vmul.f32 v4, v4;
	(v2sf) =	vpush v6, $0x5;
	s14 =	spop (v2sf)  }
0x5e: {  	v3 =	vadd.f32 v5, v3;
	(v2sf) =	vpush v6, $0x6;
	s15 =	spop (v2sf)  }
0x5f: {  	v49 =	vmul.f32 v11, v11;
	v4 =	vadd.f32 v7, v4;
	(v2sf) =	vpush v6, $0x7;
	s16 =	spop (v2sf)  }
0x60: {  	v48 =	vmul.f32 v9, v9;
	v8 =	vsub.f32 v46, v13;
	s28 =	sadd.f32 s29, s28;
	(v2sf) =	vpush v6, $0x8;
	s19 =	spop (v2sf)  }
0x61: {  	v52 =	vmul.f32 v50, v50;
	v4 =	vadd.f32 v49, v4;
	s30 =	sadd.f32 s31, s30;
	(v2sf) =	vpush v6, $0x9;
	s10 =	spop (v2sf)  }
0x62: {  	v3 =	vadd.f32 v48, v3;
	v51 =	vmul.f32 v8, v8;
	s0 =	sadd.f32 s2, s0;
	(v2sf) =	vpush v6, $0xA;
	s12 =	spop (v2sf)  }
0x63: {  	v4 =	vadd.f32 v52, v4;
	s28 =	sadd.f32 s30, s28;
	(v2sf) =	vpush v6, $0xB;
	s29 =	spop (v2sf)  }
0x64: {  	v3 =	vadd.f32 v51, v3;
	s14 =	sadd.f32 s15, s14;
	(v2sf) =	vpush v6, $0xC;
	s31 =	spop (v2sf)  }
0x65: {  	s16 =	sadd.f32 s19, s16;
	s2 =	spop (v2sf);
	(v2sf) =	vpush v6, $0xD  }
0x66: {  	v3 =	vadd.f32 v4, v3;
	s0 =	sadd.f32 s14, s0;
	s15 =	spop (v2sf);
	(v2sf) =	vpush v6, $0xE  }
0x67: {  	s10 =	sadd.f32 s12, s10;
	s12 =	spop (v2sf);
	(v2sf) =	vpush v6, $0xF  }
0x68: {  	s31 =	sadd.f32 s31, s29;
	s29 =	spop (v2sf);
	(v2sf) =	vpush v3, $0x0  }
0x69: {  	s2 =	sadd.f32 s15, s2;
	s15 =	spop (v2sf);
	(v2sf) =	vpush v3, $0x1  }
0x6a: {  	s0 =	sadd.f32 s0, s28;
	s30 =	spop (v2sf);
	(v2sf) =	vpush v3, $0x2  }
0x6b: {  	s10 =	sadd.f32 s10, s16;
	s14 =	spop (v2sf);
	(v2sf) =	vpush v3, $0x3  }
0x6c: {  	s2 =	sadd.f32 s2, s31;
	s16 =	spop (v2sf);
	(v2sf) =	vpush v3, $0x4  }
0x6d: {  	s12 =	sadd.f32 s29, s12;
	s19 =	spop (v2sf);
	(v2sf) =	vpush v3, $0x5  }
0x6e: {  	s2 =	sadd.f32 s2, s10;
	s28 =	spop (v2sf);
	(v2sf) =	vpush v3, $0x6  }
0x6f: {  	s15 =	sadd.f32 s30, s15;
	s10 =	spop (v2sf);
	(v2sf) =	vpush v3, $0x7  }
0x70: {  	s14 =	sadd.f32 s16, s14;
	s31 =	spop (v2sf);
	(v2sf) =	vpush v3, $0x8  }
0x71: {  	s12 =	sadd.f32 s15, s12;
	s29 =	spop (v2sf);
	(v2sf) =	vpush v3, $0x9  }
0x72: {  	s0 =	sadd.f32 s2, s0;
	s30 =	spop (v2sf);
	(v2sf) =	vpush v3, $0xA  }
0x73: {  	s19 =	sadd.f32 s28, s19;
	s16 =	spop (v2sf);
	(v2sf) =	vpush v3, $0xB  }
0x74: {  	s10 =	sadd.f32 s31, s10;
	s28 =	spop (v2sf);
	(v2sf) =	vpush v3, $0xC  }
0x75: {  	s14 =	sadd.f32 s19, s14;
	s31 =	spop (v2sf);
	(v2sf) =	vpush v3, $0xD  }
0x76: {  	s29 =	sadd.f32 s30, s29;
	s30 =	spop (v2sf);
	(v2sf) =	vpush v3, $0xE  }
0x77: {  	s31 =	sadd.f32 s30, s31;
	s30 =	spop (v2sf);
	(v2sf) =	vpush v3, $0xF  }
0x78: {  	s12 =	sadd.f32 s14, s12;
	s15 =	spop (v2sf)  }
0x79: {  	s16 =	sadd.f32 s28, s16;
	s19 =	spop (v2sf)  }
0x7a: {  	s10 =	sadd.f32 s29, s10;
	s29 =	spop (v2sf)  }
0x7b: {  	s16 =	sadd.f32 s31, s16;
	s28 =	spop (v2sf)  }
0x7c: {  	s15 =	sadd.f32 s15, s30;
	s14 =	spop (v2sf)  }
0x7d: {  	s10 =	sadd.f32 s16, s10;
	s16 =	spop (v2sf)  }
0x7e: {  	s19 =	sadd.f32 s29, s19;
	s2 =	spop (v2sf)  }
0x7f: {  	s10 =	sadd.f32 s10, s12;
	s12 =	spop (v2sf)  }
0x80: {  	s14 =	sadd.f32 s14, s28;
	s31 =	spop (v2sf)  }
0x81: {  	s15 =	sadd.f32 s19, s15;
	s30 =	spop (v2sf)  }
0x82: {  	s2 =	sadd.f32 s2, s16;
	s29 =	spop (v2sf)  }
0x83: {  	s12 =	sadd.f32 s31, s12;
	s28 =	spop (v2sf)  }
0x84: {  	s2 =	sadd.f32 s2, s14;
	s16 =	spop (v2sf)  }
0x85: {  	s29 =	sadd.f32 s29, s30;
	s31 =	spop (v2sf)  }
0x86: {  	s16 =	sadd.f32 s16, s28;
	s30 =	spop (v2sf)  }
0x87: {  	s31 =	sadd.f32 s30, s31  }
0x88: {  	s12 =	sadd.f32 s29, s12  }
0x89: {  	s29 =	sadd.f32 s31, s16  }
0x8a: {  	s2 =	sadd.f32 s2, s15  }
0x8b: {  	s12 =	sadd.f32 s29, s12  }
0x8c: {  	v53 =	vmov s0  }
0x8d: {  	v3 =	vmax.f32 v53, $1.000000020e-16;
	v54 =	vmov s10;
	s30 =	sadd.f32 s12, s2  }
0x8e: {  	v3 =	vbroadcast v3, $0x0;
	v4 =	vmax.f32 v54, $1.000000020e-16  }
0x8f: {  	v4 =	vbroadcast v4, $0x0;
	v55 =	vmov s30  }
0x90: {  	(erf) = vrcp.f32 v3;
	v56 =	vmax.f32 v55, $1.000000020e-16  }
0x91: {  	(erf) = vrcp.f32 v4;
	v3 =	vbroadcast v56, $0x0;
	_ =	sdelay $0x1  }
0x92: {  	(erf) = vrcp.f32 v3;
	_ =	sdelay $0x5  }
0x93: {  	v57 =	vpop (erf)  }
0x94: {  	v4 =	vpop (erf)  }
0x95: {  	v58 =	vadd.f32 v4, v57  }
0x96: {  	v59 =	vpop (erf)  }
0x97: {  	v5 =	vadd.f32 v59, v58;
	_ =	sdelay $0x1  }
0x98: {  	(erf) = vrcp.f32 v5;
	_ =	sdelay $0x3  }
0x99: {  	v0 =	vmul.f32 v57, v0;
	v1 =	vmul.f32 v4, v27;
	_ =	sdelay $0x1  }
0x9a: {  	v0 =	vadd.f32 v1, v0;
	v60 =	vmul.f32 v59, v40;
	_ =	sdelay $0x1  }
0x9b: {  	v0 =	vadd.f32 v60, v0  }
0x9c: {  	v61 =	vpop (erf)  }
0x9d: {  	v0 =	vmul.f32 v61, v0;
	_ =	sdelay $0x1  }
0x9e: {  	[tilespmem:s23+$0xFFFFFF80] =	vst v0  }
0x9f: {  	v0 =	vld [tilespmem:s26+$0xFFFFFF90]  }
0xa0: {  	v62 =	vld [tilespmem:s25+$0xFFFFFF90];
	_ =	sdelay $0x1  }
0xa1: {  	v63 =	vld [tilespmem:s24+$0xFFFFFF90];
	_ =	sdelay $0x2  }
0xa2: {  	v0 =	vmul.f32 v0, v57;
	v2 =	vmul.f32 v4, v62;
	_ =	sdelay $0x1  }
0xa3: {  	v8 =	vmul.f32 v59, v63;
	v0 =	vadd.f32 v2, v0;
	_ =	sdelay $0x1  }
0xa4: {  	v0 =	vadd.f32 v8, v0;
	_ =	sdelay $0x1  }
0xa5: {  	v0 =	vmul.f32 v61, v0;
	_ =	sdelay $0x1  }
0xa6: {  	[tilespmem:s23+$0xFFFFFF90] =	vst v0  }
0xa7: {  	v0 =	vld [tilespmem:s26+$0xFFFFFFA0]  }
0xa8: {  	v9 =	vld [tilespmem:s25+$0xFFFFFFA0];
	_ =	sdelay $0x1  }
0xa9: {  	v10 =	vld [tilespmem:s24+$0xFFFFFFA0];
	_ =	sdelay $0x2  }
0xaa: {  	v0 =	vmul.f32 v0, v57;
	v2 =	vmul.f32 v9, v4;
	_ =	sdelay $0x1  }
0xab: {  	v11 =	vmul.f32 v59, v10;
	v0 =	vadd.f32 v2, v0;
	_ =	sdelay $0x1  }
0xac: {  	v0 =	vadd.f32 v11, v0;
	_ =	sdelay $0x1  }
0xad: {  	v0 =	vmul.f32 v61, v0;
	_ =	sdelay $0x1  }
0xae: {  	[tilespmem:s23+$0xFFFFFFA0] =	vst v0  }
0xaf: {  	v0 =	vld [tilespmem:s26+$0xFFFFFFB0]  }
0xb0: {  	v12 =	vld [tilespmem:s25+$0xFFFFFFB0];
	_ =	sdelay $0x1  }
0xb1: {  	v13 =	vld [tilespmem:s24+$0xFFFFFFB0];
	_ =	sdelay $0x2  }
0xb2: {  	v0 =	vmul.f32 v0, v57;
	v2 =	vmul.f32 v12, v4;
	_ =	sdelay $0x1  }
0xb3: {  	v14 =	vmul.f32 v59, v13;
	v0 =	vadd.f32 v2, v0;
	_ =	sdelay $0x1  }
0xb4: {  	v0 =	vadd.f32 v14, v0;
	_ =	sdelay $0x1  }
0xb5: {  	v0 =	vmul.f32 v61, v0;
	_ =	sdelay $0x1  }
0xb6: {  	[tilespmem:s23+$0xFFFFFFB0] =	vst v0  }
0xb7: {  	v0 =	vld [tilespmem:s26+$0xFFFFFFC0]  }
0xb8: {  	v15 =	vld [tilespmem:s25+$0xFFFFFFC0];
	_ =	sdelay $0x1  }
0xb9: {  	v16 =	vld [tilespmem:s24+$0xFFFFFFC0];
	_ =	sdelay $0x2  }
0xba: {  	v0 =	vmul.f32 v0, v57;
	v2 =	vmul.f32 v15, v4;
	_ =	sdelay $0x1  }
0xbb: {  	v17 =	vmul.f32 v16, v59;
	v0 =	vadd.f32 v2, v0;
	_ =	sdelay $0x1  }
0xbc: {  	v0 =	vadd.f32 v17, v0;
	_ =	sdelay $0x1  }
0xbd: {  	v0 =	vmul.f32 v0, v61;
	_ =	sdelay $0x1  }
0xbe: {  	[tilespmem:s23+$0xFFFFFFC0] =	vst v0  }
0xbf: {  	v0 =	vld [tilespmem:s26+$0xFFFFFFD0]  }
0xc0: {  	v18 =	vld [tilespmem:s25+$0xFFFFFFD0];
	_ =	sdelay $0x1  }
0xc1: {  	v19 =	vld [tilespmem:s24+$0xFFFFFFD0];
	_ =	sdelay $0x2  }
0xc2: {  	v0 =	vmul.f32 v0, v57;
	v2 =	vmul.f32 v18, v4;
	_ =	sdelay $0x1  }
0xc3: {  	v20 =	vmul.f32 v19, v59;
	v0 =	vadd.f32 v2, v0;
	_ =	sdelay $0x1  }
0xc4: {  	v0 =	vadd.f32 v20, v0;
	_ =	sdelay $0x1  }
0xc5: {  	v0 =	vmul.f32 v0, v61;
	_ =	sdelay $0x1  }
0xc6: {  	[tilespmem:s23+$0xFFFFFFD0] =	vst v0  }
0xc7: {  	v0 =	vld [tilespmem:s26+$0xFFFFFFE0]  }
0xc8: {  	v21 =	vld [tilespmem:s25+$0xFFFFFFE0];
	_ =	sdelay $0x1  }
0xc9: {  	v22 =	vld [tilespmem:s24+$0xFFFFFFE0];
	_ =	sdelay $0x2  }
0xca: {  	v0 =	vmul.f32 v0, v57;
	v2 =	vmul.f32 v21, v4;
	_ =	sdelay $0x1  }
0xcb: {  	v23 =	vmul.f32 v22, v59;
	v0 =	vadd.f32 v2, v0;
	_ =	sdelay $0x1  }
0xcc: {  	v0 =	vadd.f32 v23, v0;
	_ =	sdelay $0x1  }
0xcd: {  	v0 =	vmul.f32 v0, v61;
	_ =	sdelay $0x1  }
0xce: {  	[tilespmem:s23+$0xFFFFFFE0] =	vst v0  }
0xcf: {  	v0 =	vld [tilespmem:s26+$0xFFFFFFF0]  }
0xd0: {  	v24 =	vld [tilespmem:s25+$0xFFFFFFF0];
	_ =	sdelay $0x1  }
0xd1: {  	v25 =	vld [tilespmem:s24+$0xFFFFFFF0];
	_ =	sdelay $0x2  }
0xd2: {  	v0 =	vmul.f32 v0, v57;
	v2 =	vmul.f32 v24, v4;
	_ =	sdelay $0x1  }
0xd3: {  	v26 =	vmul.f32 v25, v59;
	v0 =	vadd.f32 v2, v0;
	_ =	sdelay $0x1  }
0xd4: {  	v0 =	vadd.f32 v26, v0;
	_ =	sdelay $0x1  }
0xd5: {  	v0 =	vmul.f32 v0, v61;
	_ =	sdelay $0x1  }
0xd6: {  	[tilespmem:s23+$0xFFFFFFF0] =	vst v0  }
0xd7: {  	v0 =	vld [tilespmem:s26+$0x0]  }
0xd8: {  	v27 =	vld [tilespmem:s21+$0x0]  }
0xd9: {  	v28 =	vld [tilespmem:s26+$0x10]  }
0xda: {  	v29 =	vld [tilespmem:s21+$0x10]  }
0xdb: {  	v30 =	vld [tilespmem:s26+$0x20]  }
0xdc: {  	v31 =	vld [tilespmem:s21+$0x20]  }
0xdd: {  	v32 =	vld [tilespmem:s26+$0x30]  }
0xde: {  	v33 =	vld [tilespmem:s21+$0x30]  }
0xdf: {  	v34 =	vld [tilespmem:s26+$0x40]  }
0xe0: {  	v35 =	vld [tilespmem:s21+$0x40]  }
0xe1: {  	v36 =	vld [tilespmem:s26+$0x50]  }
0xe2: {  	v37 =	vld [tilespmem:s21+$0x50]  }
0xe3: {  	v38 =	vld [tilespmem:s26+$0x60]  }
0xe4: {  	v39 =	vld [tilespmem:s21+$0x60]  }
0xe5: {  	v41 =	vld [tilespmem:s26+$0x70]  }
0xe6: {  	v42 =	vld [tilespmem:s21+$0x70]  }
0xe7: {  	v40 =	vsub.f32 v0, v27;
	v1 =	vsub.f32 v28, v29  }
0xe8: {  	v2 =	vsub.f32 v30, v31;
	v6 =	vsub.f32 v32, v33  }
0xe9: {  	v8 =	vsub.f32 v34, v35;
	v14 =	vmul.f32 v40, v40;
	v1 =	vmul.f32 v1, v1  }
0xea: {  	v10 =	vsub.f32 v36, v37;
	v2 =	vmul.f32 v2, v2;
	v6 =	vmul.f32 v6, v6  }
0xeb: {  	v45 =	vsub.f32 v38, v39;
	v46 =	vsub.f32 v41, v42;
	v43 =	vmul.f32 v8, v8  }
0xec: {  	v49 =	vld [tilespmem:s25+$0x0];
	v44 =	vmul.f32 v10, v10;
	v2 =	vadd.f32 v2, v14;
	v1 =	vadd.f32 v6, v1  }
0xed: {  	v54 =	vld [tilespmem:s25+$0x40];
	v47 =	vmul.f32 v45, v45  }
0xee: {  	v55 =	vld [tilespmem:s25+$0x50];
	v48 =	vmul.f32 v46, v46;
	v2 =	vadd.f32 v43, v2;
	v1 =	vadd.f32 v44, v1  }
0xef: {  	v56 =	vld [tilespmem:s25+$0x60]  }
0xf0: {  	v57 =	vld [tilespmem:s25+$0x70];
	v2 =	vadd.f32 v47, v2;
	v1 =	vadd.f32 v48, v1  }
0xf1: {  	v51 =	vld [tilespmem:s25+$0x10]  }
0xf2: {  	v52 =	vld [tilespmem:s25+$0x30];
	v53 =	vsub.f32 v49, v27;
	v2 =	vadd.f32 v1, v2  }
0xf3: {  	v50 =	vld [tilespmem:s25+$0x20];
	v58 =	vsub.f32 v54, v35;
	v59 =	vsub.f32 v55, v37  }
0xf4: {  	v62 =	vsub.f32 v56, v39;
	(v2sf) =	vpush v2, $0x0  }
0xf5: {  	v63 =	vsub.f32 v57, v42;
	(v2sf) =	vpush v2, $0x1  }
0xf6: {  	v8 =	vsub.f32 v51, v29;
	(v2sf) =	vpush v2, $0x2  }
0xf7: {  	v10 =	vsub.f32 v52, v33;
	(v2sf) =	vpush v2, $0x3  }
0xf8: {  	v6 =	vsub.f32 v50, v31;
	(v2sf) =	vpush v2, $0x4  }
0xf9: {  	v8 =	vmul.f32 v8, v8;
	v10 =	vmul.f32 v10, v10;
	(v2sf) =	vpush v2, $0x5  }
0xfa: {  	v12 =	vmul.f32 v53, v53;
	v6 =	vmul.f32 v6, v6;
	(v2sf) =	vpush v2, $0x6  }
0xfb: {  	v61 =	vmul.f32 v59, v59;
	v8 =	vadd.f32 v10, v8;
	(v2sf) =	vpush v2, $0x7  }
0xfc: {  	v21 =	vld [tilespmem:s24+$0x10];
	v60 =	vmul.f32 v58, v58;
	v6 =	vadd.f32 v6, v12;
	(v2sf) =	vpush v2, $0x8  }
0xfd: {  	v19 =	vmul.f32 v63, v63;
	v8 =	vadd.f32 v61, v8;
	(v2sf) =	vpush v2, $0x9  }
0xfe: {  	v22 =	vld [tilespmem:s24+$0x20];
	v18 =	vmul.f32 v62, v62;
	v6 =	vadd.f32 v60, v6;
	(v2sf) =	vpush v2, $0xA  }
0xff: {  	v20 =	vld [tilespmem:s24+$0x0];
	v8 =	vadd.f32 v19, v8;
	(v2sf) =	vpush v2, $0xB  }
0x100: {  	v23 =	vld [tilespmem:s24+$0x30];
	v6 =	vadd.f32 v18, v6;
	(v2sf) =	vpush v2, $0xC  }
0x101: {  	v24 =	vld [tilespmem:s24+$0x40];
	v4 =	vsub.f32 v21, v29;
	(v2sf) =	vpush v2, $0xD  }
0x102: {  	v6 =	vadd.f32 v8, v6;
	(v2sf) =	vpush v2, $0xE  }
0x103: {  	v26 =	vld [tilespmem:s24+$0x60];
	v5 =	vsub.f32 v22, v31;
	(v2sf) =	vpush v2, $0xF;
	s0 =	spop (v2sf)  }
0x104: {  	v3 =	vsub.f32 v20, v27;
	(v2sf) =	vpush v6, $0x0;
	s2 =	spop (v2sf)  }
0x105: {  	v25 =	vld [tilespmem:s24+$0x50];
	v7 =	vsub.f32 v23, v33;
	(v2sf) =	vpush v6, $0x1;
	s10 =	spop (v2sf)  }
0x106: {  	v9 =	vsub.f32 v24, v35;
	(v2sf) =	vpush v6, $0x2;
	s12 =	spop (v2sf)  }
0x107: {  	v27 =	vld [tilespmem:s24+$0x70];
	v3 =	vmul.f32 v3, v3;
	v5 =	vmul.f32 v5, v5;
	(v2sf) =	vpush v6, $0x3;
	s14 =	spop (v2sf)  }
0x108: {  	v30 =	vsub.f32 v26, v39;
	v4 =	vmul.f32 v4, v4;
	(v2sf) =	vpush v6, $0x4;
	s15 =	spop (v2sf)  }
0x109: {  	v7 =	vmul.f32 v7, v7;
	v3 =	vadd.f32 v5, v3;
	(v2sf) =	vpush v6, $0x5;
	s16 =	spop (v2sf)  }
0x10a: {  	v8 =	vsub.f32 v25, v37;
	(v2sf) =	vpush v6, $0x6;
	s19 =	spop (v2sf)  }
0x10b: {  	v28 =	vmul.f32 v9, v9;
	v4 =	vadd.f32 v7, v4;
	(v2sf) =	vpush v6, $0x7;
	s28 =	spop (v2sf)  }
0x10c: {  	v31 =	vsub.f32 v27, v42;
	v29 =	vmul.f32 v8, v8;
	s0 =	sadd.f32 s2, s0;
	(v2sf) =	vpush v6, $0x8;
	s29 =	spop (v2sf)  }
0x10d: {  	v32 =	vmul.f32 v30, v30;
	v3 =	vadd.f32 v28, v3;
	s10 =	sadd.f32 s12, s10;
	(v2sf) =	vpush v6, $0x9;
	s30 =	spop (v2sf)  }
0x10e: {  	v33 =	vmul.f32 v31, v31;
	v4 =	vadd.f32 v29, v4;
	s14 =	sadd.f32 s15, s14;
	(v2sf) =	vpush v6, $0xA;
	s31 =	spop (v2sf)  }
0x10f: {  	v3 =	vadd.f32 v32, v3;
	s0 =	sadd.f32 s10, s0;
	(v2sf) =	vpush v6, $0xB;
	s2 =	spop (v2sf)  }
0x110: {  	v4 =	vadd.f32 v33, v4;
	s16 =	sadd.f32 s19, s16;
	(v2sf) =	vpush v6, $0xC;
	s12 =	spop (v2sf)  }
0x111: {  	s28 =	sadd.f32 s29, s28;
	s15 =	spop (v2sf);
	(v2sf) =	vpush v6, $0xD  }
0x112: {  	v3 =	vadd.f32 v4, v3;
	s14 =	sadd.f32 s16, s14;
	s19 =	spop (v2sf);
	(v2sf) =	vpush v6, $0xE  }
0x113: {  	s31 =	sadd.f32 s31, s30;
	s30 =	spop (v2sf);
	(v2sf) =	vpush v6, $0xF  }
0x114: {  	s2 =	sadd.f32 s12, s2;
	s12 =	spop (v2sf);
	(v2sf) =	vpush v3, $0x0  }
0x115: {  	s15 =	sadd.f32 s19, s15;
	s19 =	spop (v2sf);
	(v2sf) =	vpush v3, $0x1  }
0x116: {  	s0 =	sadd.f32 s14, s0;
	s10 =	spop (v2sf);
	(v2sf) =	vpush v3, $0x2  }
0x117: {  	s28 =	sadd.f32 s31, s28;
	s16 =	spop (v2sf);
	(v2sf) =	vpush v3, $0x3  }
0x118: {  	s2 =	sadd.f32 s15, s2;
	s29 =	spop (v2sf);
	(v2sf) =	vpush v3, $0x4  }
0x119: {  	s12 =	sadd.f32 s12, s30;
	s15 =	spop (v2sf);
	(v2sf) =	vpush v3, $0x5  }
0x11a: {  	s2 =	sadd.f32 s2, s28;
	s14 =	spop (v2sf);
	(v2sf) =	vpush v3, $0x6  }
0x11b: {  	s10 =	sadd.f32 s10, s19;
	s28 =	spop (v2sf);
	(v2sf) =	vpush v3, $0x7  }
0x11c: {  	s16 =	sadd.f32 s29, s16;
	s31 =	spop (v2sf);
	(v2sf) =	vpush v3, $0x8  }
0x11d: {  	s10 =	sadd.f32 s10, s12;
	s30 =	spop (v2sf);
	(v2sf) =	vpush v3, $0x9  }
0x11e: {  	s14 =	sadd.f32 s14, s15;
	s19 =	spop (v2sf);
	(v2sf) =	vpush v3, $0xA  }
0x11f: {  	s28 =	sadd.f32 s31, s28;
	s29 =	spop (v2sf);
	(v2sf) =	vpush v3, $0xB  }
0x120: {  	s14 =	sadd.f32 s14, s16;
	s15 =	spop (v2sf);
	(v2sf) =	vpush v3, $0xC  }
0x121: {  	s19 =	sadd.f32 s19, s30;
	s31 =	spop (v2sf);
	(v2sf) =	vpush v3, $0xD  }
0x122: {  	s15 =	sadd.f32 s15, s29;
	s30 =	spop (v2sf);
	(v2sf) =	vpush v3, $0xE  }
0x123: {  	s29 =	sadd.f32 s30, s31;
	s30 =	spop (v2sf);
	(v2sf) =	vpush v3, $0xF  }
0x124: {  	s0 =	sadd.f32 s2, s0;
	s31 =	spop (v2sf)  }
0x125: {  	s10 =	sadd.f32 s14, s10;
	s12 =	spop (v2sf)  }
0x126: {  	s19 =	sadd.f32 s19, s28;
	s16 =	spop (v2sf)  }
0x127: {  	s15 =	sadd.f32 s29, s15;
	s28 =	spop (v2sf)  }
0x128: {  	s30 =	sadd.f32 s31, s30;
	s29 =	spop (v2sf)  }
0x129: {  	s15 =	sadd.f32 s15, s19;
	s14 =	spop (v2sf)  }
0x12a: {  	s12 =	sadd.f32 s16, s12;
	s19 =	spop (v2sf)  }
0x12b: {  	s10 =	sadd.f32 s15, s10;
	s2 =	spop (v2sf)  }
0x12c: {  	s28 =	sadd.f32 s29, s28;
	s15 =	spop (v2sf)  }
0x12d: {  	s12 =	sadd.f32 s12, s30;
	s31 =	spop (v2sf)  }
0x12e: {  	s14 =	sadd.f32 s19, s14;
	s16 =	spop (v2sf)  }
0x12f: {  	s2 =	sadd.f32 s15, s2;
	s29 =	spop (v2sf)  }
0x130: {  	s14 =	sadd.f32 s14, s28;
	s19 =	spop (v2sf)  }
0x131: {  	s16 =	sadd.f32 s16, s31;
	s15 =	spop (v2sf)  }
0x132: {  	s19 =	sadd.f32 s19, s29;
	s31 =	spop (v2sf)  }
0x133: {  	s15 =	sadd.f32 s31, s15  }
0x134: {  	s2 =	sadd.f32 s16, s2  }
0x135: {  	s15 =	sadd.f32 s15, s19  }
0x136: {  	s12 =	sadd.f32 s14, s12  }
0x137: {  	s2 =	sadd.f32 s15, s2  }
0x138: {  	v34 =	vmov s0  }
0x139: {  	v3 =	vmax.f32 v34, $1.000000020e-16;
	v35 =	vmov s10;
	s31 =	sadd.f32 s2, s12  }
0x13a: {  	v3 =	vbroadcast v3, $0x0;
	v4 =	vmax.f32 v35, $1.000000020e-16  }
0x13b: {  	v4 =	vbroadcast v4, $0x0;
	v36 =	vmov s31  }
0x13c: {  	(erf) = vrcp.f32 v3;
	v37 =	vmax.f32 v36, $1.000000020e-16  }
0x13d: {  	(erf) = vrcp.f32 v4;
	v3 =	vbroadcast v37, $0x0;
	_ =	sdelay $0x1  }
0x13e: {  	(erf) = vrcp.f32 v3;
	_ =	sdelay $0x5  }
0x13f: {  	v38 =	vpop (erf)  }
0x140: {  	v4 =	vpop (erf)  }
0x141: {  	v39 =	vadd.f32 v4, v38  }
0x142: {  	v40 =	vpop (erf)  }
0x143: {  	v5 =	vadd.f32 v40, v39;
	_ =	sdelay $0x1  }
0x144: {  	(erf) = vrcp.f32 v5;
	_ =	sdelay $0x3  }
0x145: {  	v0 =	vmul.f32 v38, v0;
	v1 =	vmul.f32 v4, v49;
	_ =	sdelay $0x1  }
0x146: {  	v0 =	vadd.f32 v1, v0;
	v41 =	vmul.f32 v40, v20;
	_ =	sdelay $0x1  }
0x147: {  	v0 =	vadd.f32 v41, v0  }
0x148: {  	v42 =	vpop (erf)  }
0x149: {  	v0 =	vmul.f32 v42, v0;
	_ =	sdelay $0x1  }
0x14a: {  	[tilespmem:s23+$0x0] =	vst v0  }
0x14b: {  	v0 =	vld [tilespmem:s26+$0x10]  }
0x14c: {  	v43 =	vld [tilespmem:s25+$0x10];
	_ =	sdelay $0x1  }
0x14d: {  	v44 =	vld [tilespmem:s24+$0x10];
	_ =	sdelay $0x2  }
0x14e: {  	v0 =	vmul.f32 v0, v38;
	v2 =	vmul.f32 v4, v43;
	_ =	sdelay $0x1  }
0x14f: {  	v45 =	vmul.f32 v40, v44;
	v0 =	vadd.f32 v2, v0;
	_ =	sdelay $0x1  }
0x150: {  	v0 =	vadd.f32 v45, v0;
	_ =	sdelay $0x1  }
0x151: {  	v0 =	vmul.f32 v42, v0;
	_ =	sdelay $0x1  }
0x152: {  	[tilespmem:s23+$0x10] =	vst v0  }
0x153: {  	v0 =	vld [tilespmem:s26+$0x20]  }
0x154: {  	v46 =	vld [tilespmem:s25+$0x20];
	_ =	sdelay $0x1  }
0x155: {  	v47 =	vld [tilespmem:s24+$0x20];
	_ =	sdelay $0x2  }
0x156: {  	v0 =	vmul.f32 v0, v38;
	v2 =	vmul.f32 v46, v4;
	_ =	sdelay $0x1  }
0x157: {  	v48 =	vmul.f32 v40, v47;
	v0 =	vadd.f32 v2, v0;
	_ =	sdelay $0x1  }
0x158: {  	v0 =	vadd.f32 v48, v0;
	_ =	sdelay $0x1  }
0x159: {  	v0 =	vmul.f32 v42, v0;
	_ =	sdelay $0x1  }
0x15a: {  	[tilespmem:s23+$0x20] =	vst v0  }
0x15b: {  	v0 =	vld [tilespmem:s26+$0x30]  }
0x15c: {  	v49 =	vld [tilespmem:s25+$0x30];
	_ =	sdelay $0x1  }
0x15d: {  	v50 =	vld [tilespmem:s24+$0x30];
	_ =	sdelay $0x2  }
0x15e: {  	v0 =	vmul.f32 v0, v38;
	v2 =	vmul.f32 v49, v4;
	_ =	sdelay $0x1  }
0x15f: {  	v51 =	vmul.f32 v40, v50;
	v0 =	vadd.f32 v2, v0;
	_ =	sdelay $0x1  }
0x160: {  	v0 =	vadd.f32 v51, v0;
	_ =	sdelay $0x1  }
0x161: {  	v0 =	vmul.f32 v42, v0;
	_ =	sdelay $0x1  }
0x162: {  	[tilespmem:s23+$0x30] =	vst v0  }
0x163: {  	v0 =	vld [tilespmem:s26+$0x40]  }
0x164: {  	v52 =	vld [tilespmem:s25+$0x40];
	_ =	sdelay $0x1  }
0x165: {  	v53 =	vld [tilespmem:s24+$0x40];
	_ =	sdelay $0x2  }
0x166: {  	v0 =	vmul.f32 v0, v38;
	v2 =	vmul.f32 v52, v4;
	_ =	sdelay $0x1  }
0x167: {  	v54 =	vmul.f32 v53, v40;
	v0 =	vadd.f32 v2, v0;
	_ =	sdelay $0x1  }
0x168: {  	v0 =	vadd.f32 v54, v0;
	_ =	sdelay $0x1  }
0x169: {  	v0 =	vmul.f32 v0, v42;
	_ =	sdelay $0x1  }
0x16a: {  	[tilespmem:s23+$0x40] =	vst v0  }
0x16b: {  	v0 =	vld [tilespmem:s26+$0x50]  }
0x16c: {  	v55 =	vld [tilespmem:s25+$0x50];
	_ =	sdelay $0x1  }
0x16d: {  	v56 =	vld [tilespmem:s24+$0x50];
	_ =	sdelay $0x2  }
0x16e: {  	v0 =	vmul.f32 v0, v38;
	v2 =	vmul.f32 v55, v4;
	_ =	sdelay $0x1  }
0x16f: {  	v57 =	vmul.f32 v56, v40;
	v0 =	vadd.f32 v2, v0;
	_ =	sdelay $0x1  }
0x170: {  	v0 =	vadd.f32 v57, v0;
	_ =	sdelay $0x1  }
0x171: {  	v0 =	vmul.f32 v0, v42;
	_ =	sdelay $0x1  }
0x172: {  	[tilespmem:s23+$0x50] =	vst v0  }
0x173: {  	v0 =	vld [tilespmem:s26+$0x60]  }
0x174: {  	v58 =	vld [tilespmem:s25+$0x60];
	_ =	sdelay $0x1  }
0x175: {  	v59 =	vld [tilespmem:s24+$0x60];
	_ =	sdelay $0x2  }
0x176: {  	v0 =	vmul.f32 v0, v38;
	v2 =	vmul.f32 v58, v4;
	_ =	sdelay $0x1  }
0x177: {  	v60 =	vmul.f32 v59, v40;
	v0 =	vadd.f32 v2, v0;
	_ =	sdelay $0x1  }
0x178: {  	v0 =	vadd.f32 v60, v0;
	_ =	sdelay $0x1  }
0x179: {  	v0 =	vmul.f32 v0, v42;
	_ =	sdelay $0x1  }
0x17a: {  	[tilespmem:s23+$0x60] =	vst v0  }
0x17b: {  	v0 =	vld [tilespmem:s26+$0x70]  }
0x17c: {  	v61 =	vld [tilespmem:s25+$0x70];
	_ =	sdelay $0x1  }
0x17d: {  	v62 =	vld [tilespmem:s24+$0x70];
	_ =	sdelay $0x2  }
0x17e: {  	v0 =	vmul.f32 v0, v38;
	v2 =	vmul.f32 v61, v4;
	_ =	sdelay $0x1  }
0x17f: {  	s22 =	sadd.s32 $0x2, s22;
	v63 =	vmul.f32 v62, v40;
	v0 =	vadd.f32 v2, v0  }
0x180: {  	p0 =	slt.u32 s22, $0x7E  }
.Ltmp0:
0x181: {  	v0 =	vadd.f32 v63, v0;
	(pc) =	sbr.rel @p0 .LBB2_2-.Ltmp0, $4  }
0x182: {  	_ = 	snop  }
0x183: {  	v0 =	vmul.f32 v0, v42  }
0x184: {  	s21 =	sadd.s32 $0x100, s21;
	s24 =	sadd.s32 $0x100, s24  }
0x185: {  	s25 =	sadd.s32 $0x100, s25;
	s26 =	sadd.s32 $0x100, s26;
	[tilespmem:s23+$0x70] =	vst v0;
	s23 =	sadd.s32 $0x100, s23  }
0x186: {  	s20 =	sadd.s32 $0x1, s20  }
0x187: {  	p0 =	sne.s32 s20, s9  }
.Ltmp1:
0x188: {  	s0 =	simm.s32 $0x10180;
	(pc) =	sbr.rel @p0 .LBB2_1-.Ltmp1, $4  }
0x189: {  	[hbm4b:s8+s3] =	stream.linear.scatter [tilespmem:s0], [sflag:$0x3], $0x4000, $0x38;
	[tilespmem:$0x14180] =	vst v63  }
0x18a: {  	_ =	swait.ge [sflag:s11], $0x4000  }
0x18b: {  	[sflag:s11] =	ssyncset.done $0x0  }
0x18c: {  	[sflag:s11] =	ssyncadd.s32 $0xFFFFC000  }
0x18d: {  	_ =	sfence.sel $0x180000  }
0x18e: {  	[bflag:$0x0] =	sbarrier.arrive $0xFFFF  }
0x18f: {  	_ =	strace $0x90000047  }
0x190: {  	s0 =	stileid.u32;
	[bflag:$0x2] =	sbarrier.arrive $0xFFFF  }
0x191: {  	p0 =	sne.s32 s0, $0x0;
	s0 =	rddreg [dreg:$0x3]  }
0x192: {  	s0 =	sadd.s32 @!p0 $0x100000, s0  }
0x193: {  	[sflag:s0] =	ssyncadd.tile.s32 @!p0 $0x1;
	_ =	shalt  }
.Lfunc_end2:
_tile_overlayer_lowered:
.L_overlay_start_2:
0x194: {  	(tag) =	ssettag $0x2  }
0x195: {  	s0 =	rddreg [dreg:$0x0];
	s2 =	stileid.u32  }
0x196: {  	s1 =	rddreg [dreg:$0x1];
	p0 =	sne.s32 s2, $0x0  }
0x197: {  	s3 =	rddreg [dreg:$0x2];
	[bflag:$0x3] =	sbarrier.arrive $0xFFFF;
	s2 =	simm.s32 @!p0 $0x1C03  }
0x198: {  	[timem:s3], [sflag:s2] =	dma.local @!p0 [hbm:s0], s1  }
0x199: {  	s0 =	simm.s32 @!p0 $0x3  }
0x19a: {  	_ =	swait.ge @!p0 [sflag:s0], s1  }
0x19b: {  	s1 =	ssub.s32 @!p0 $0x0, s1;
	[sflag:s0] =	ssyncset.done @!p0 $0x0  }
0x19c: {  	[sflag:s0] =	ssyncadd.s32 @!p0 s1  }
0x19d: {  	[bflag:$0x3] =	sbarrier.arrive $0xFFFF  }
0x19e: {  	_ =	shalt  }

</sc_bundles>
